<compile_context>
chip_gen: v7x
topology: tpu7x:2x2x1
jax: 0.10.2.dev20260603
libtpu: 0.0.44.dev20260713+nightly
codegen_flags: <defaults>
</compile_context>

<pallas_src>
import functools

import jax
import jax.numpy as jnp
from jax import lax
from jax.experimental import pallas as pl
from jax.experimental.pallas import tpu as pltpu
from jax.experimental.pallas import tpu_sc as plsc

N_NODES = 10000
N_EDGES = 320000
D_IN = 128
D_HID = 32
D_OUT = 128

NC = 2
NS = 16
NW = NC * NS
CH = 80
CHUNKS_PER_WORKER = N_EDGES // (NW * CH)
ACC_ROWS = 10112
ROWS_PER_SUB = ACC_ROWS // NS
HALF_A = 320
HALF_B = ROWS_PER_SUB - HALF_A
CNT_W = 16
LANES = 16

ROW_BLOCK = 2000

_SC_PARAMS = pltpu.CompilerParams(use_tc_tiling_on_sc=False)



def _l1_body(table, ei_hbm, zeros_s, zeros_c, ones_hbm,
             out_sums, out_cnt,
             src_v, dst_v, rows_v, sem_g, ones_v, sem_o, sem_s, acc, acc_cnt):
    c = lax.axis_index("c")
    s = lax.axis_index("s")
    wid = s * NC + c

    row0 = s * ROWS_PER_SUB
    pltpu.sync_copy(zeros_s.at[pl.ds(row0, ROWS_PER_SUB)],
                    acc.at[pl.ds(row0, ROWS_PER_SUB)])
    pltpu.sync_copy(zeros_c.at[pl.ds(row0, ROWS_PER_SUB)],
                    acc_cnt.at[pl.ds(row0, ROWS_PER_SUB)])
    pltpu.sync_copy(ones_hbm, ones_v)
    pltpu.sync_copy(ei_hbm.at[0, wid], src_v)
    pltpu.sync_copy(ei_hbm.at[1, wid], dst_v)
    plsc.subcore_barrier()

    for _w in range(5):
        pltpu.async_copy(table.at[src_v.at[_w]], rows_v.at[_w], sem_g)

    def body(i, carry):
        p = lax.rem(i, 10)

        @pl.when(i + 5 < CHUNKS_PER_WORKER)
        def _prefetch():
            pltpu.async_copy(table.at[src_v.at[i + 5]],
                             rows_v.at[lax.rem(i + 5, 10)], sem_g)

        @pl.when(i >= 4)
        def _drain_scatter():
            q = lax.rem(i - 4, 10)
            pltpu.make_async_copy(rows_v.at[q], acc.at[dst_v.at[i - 4]],
                                  sem_s).wait()

        pltpu.make_async_copy(table.at[src_v.at[i]], rows_v.at[p],
                              sem_g).wait()
        pltpu.async_copy(ones_v, acc_cnt.at[dst_v.at[i]], sem_o, add=True)
        pltpu.async_copy(rows_v.at[p], acc.at[dst_v.at[i]], sem_s, add=True)
        return carry

    lax.fori_loop(0, CHUNKS_PER_WORKER, body, 0)

    def drain_s(i, carry):
        pltpu.make_async_copy(rows_v.at[0], acc.at[dst_v.at[0]], sem_s).wait()
        return carry
    lax.fori_loop(0, 4, drain_s, 0)

    def drain(i, carry):
        pltpu.make_async_copy(ones_v, acc_cnt.at[dst_v.at[0]], sem_o).wait()
        return carry
    lax.fori_loop(0, CHUNKS_PER_WORKER, drain, 0)

    plsc.subcore_barrier()

    pltpu.sync_copy(acc.at[pl.ds(row0, ROWS_PER_SUB)],
                    out_sums.at[c, pl.ds(row0, ROWS_PER_SUB)])
    pltpu.sync_copy(acc_cnt.at[pl.ds(row0, ROWS_PER_SUB)],
                    out_cnt.at[c, pl.ds(row0, ROWS_PER_SUB)])


_seg_sum_counts = pl.kernel(
    _l1_body,
    out_type=[
        jax.ShapeDtypeStruct((NC, ACC_ROWS, D_HID), jnp.float32),
        jax.ShapeDtypeStruct((NC, ACC_ROWS, CNT_W), jnp.float32),
    ],
    mesh=plsc.VectorSubcoreMesh(core_axis_name="c", subcore_axis_name="s"),
    scratch_types=[
        pltpu.VMEM((CHUNKS_PER_WORKER, CH), jnp.int32),
        pltpu.VMEM((CHUNKS_PER_WORKER, CH), jnp.int32),
        pltpu.VMEM((10, CH, D_HID), jnp.float32),
        pltpu.SemaphoreType.DMA,
        pltpu.VMEM((CH, CNT_W), jnp.float32),
        pltpu.SemaphoreType.DMA,
        pltpu.SemaphoreType.DMA,
        pltpu.VMEM_SHARED((ACC_ROWS, D_HID), jnp.float32),
        pltpu.VMEM_SHARED((ACC_ROWS, CNT_W), jnp.float32),
    ],
    compiler_params=_SC_PARAMS,
)



def _l2_body(sums1, cnt1, r1_hbm, b1_hbm, ei_hbm, zeros_s,
             out_sums, h_out, inv_out,
             src_v, dst_v, rows_v, sem_g, sem_p, sem_s,
             s0_v, s1_v, c0_v, c1_v, r_v, b_v, h_tab, acc):
    c = lax.axis_index("c")
    s = lax.axis_index("s")
    wid = s * NC + c

    row0 = s * ROWS_PER_SUB
    pltpu.sync_copy(zeros_s.at[pl.ds(row0, ROWS_PER_SUB)],
                    acc.at[pl.ds(row0, ROWS_PER_SUB)])
    pltpu.sync_copy(ei_hbm.at[0, wid], src_v)
    pltpu.sync_copy(ei_hbm.at[1, wid], dst_v)
    pltpu.sync_copy(b1_hbm, b_v)

    for k, hn in ((0, HALF_A), (1, HALF_B)):
        r0k = row0 + k * HALF_A
        pltpu.async_copy(sums1.at[0, pl.ds(r0k, hn)], s0_v.at[pl.ds(0, hn)],
                         sem_p)
        pltpu.async_copy(sums1.at[1, pl.ds(r0k, hn)], s1_v.at[pl.ds(0, hn)],
                         sem_p)
        pltpu.async_copy(cnt1.at[0, pl.ds(r0k, hn)], c0_v.at[pl.ds(0, hn)],
                         sem_p)
        pltpu.async_copy(cnt1.at[1, pl.ds(r0k, hn)], c1_v.at[pl.ds(0, hn)],
                         sem_p)
        pltpu.async_copy(r1_hbm.at[pl.ds(r0k, hn)], r_v.at[pl.ds(0, hn)],
                         sem_p)
        pltpu.make_async_copy(sums1.at[0, pl.ds(r0k, hn)],
                              s0_v.at[pl.ds(0, hn)], sem_p).wait()
        pltpu.make_async_copy(sums1.at[0, pl.ds(r0k, hn)],
                              s0_v.at[pl.ds(0, hn)], sem_p).wait()
        pltpu.make_async_copy(cnt1.at[0, pl.ds(r0k, hn)],
                              c0_v.at[pl.ds(0, hn)], sem_p).wait()
        pltpu.make_async_copy(cnt1.at[0, pl.ds(r0k, hn)],
                              c0_v.at[pl.ds(0, hn)], sem_p).wait()
        pltpu.make_async_copy(r1_hbm.at[pl.ds(r0k, hn)],
                              r_v.at[pl.ds(0, hn)], sem_p).wait()

        def compute(i, carry):
            cv = c0_v[i, :] + c1_v[i, :]
            inv = 1.0 / jnp.maximum(cv, 1.0)
            c0_v[i, :] = inv
            for j in (0, LANES):
                val = ((s0_v[i, pl.ds(j, LANES)] + s1_v[i, pl.ds(j, LANES)])
                       * inv
                       + b_v[pl.ds(j, LANES)]
                       + r_v[i, pl.ds(j, LANES)])
                r_v[i, pl.ds(j, LANES)] = jnp.maximum(val, 0.0)
            return carry

        lax.fori_loop(0, hn, compute, 0)

        pltpu.sync_copy(r_v.at[pl.ds(0, hn)], h_tab.at[pl.ds(r0k, hn)])

        @pl.when(c == 0)
        def _publish():
            pltpu.sync_copy(r_v.at[pl.ds(0, hn)], h_out.at[pl.ds(r0k, hn)])
            pltpu.sync_copy(c0_v.at[pl.ds(0, hn)], inv_out.at[pl.ds(r0k, hn)])

    plsc.subcore_barrier()

    for _w in range(5):
        pltpu.async_copy(h_tab.at[src_v.at[_w]], rows_v.at[_w], sem_g)

    def body(i, carry):
        p = lax.rem(i, 10)

        @pl.when(i + 5 < CHUNKS_PER_WORKER)
        def _prefetch():
            pltpu.async_copy(h_tab.at[src_v.at[i + 5]],
                             rows_v.at[lax.rem(i + 5, 10)], sem_g)

        @pl.when(i >= 4)
        def _drain_scatter():
            q = lax.rem(i - 4, 10)
            pltpu.make_async_copy(rows_v.at[q], acc.at[dst_v.at[i - 4]],
                                  sem_s).wait()

        pltpu.make_async_copy(h_tab.at[src_v.at[i]], rows_v.at[p],
                              sem_g).wait()
        pltpu.async_copy(rows_v.at[p], acc.at[dst_v.at[i]], sem_s, add=True)
        return carry

    lax.fori_loop(0, CHUNKS_PER_WORKER, body, 0)

    def drain_s(i, carry):
        pltpu.make_async_copy(rows_v.at[0], acc.at[dst_v.at[0]], sem_s).wait()
        return carry
    lax.fori_loop(0, 4, drain_s, 0)
    plsc.subcore_barrier()

    pltpu.sync_copy(acc.at[pl.ds(row0, ROWS_PER_SUB)],
                    out_sums.at[c, pl.ds(row0, ROWS_PER_SUB)])


_layer2 = pl.kernel(
    _l2_body,
    out_type=[
        jax.ShapeDtypeStruct((NC, ACC_ROWS, D_HID), jnp.float32),
        jax.ShapeDtypeStruct((ACC_ROWS, D_HID), jnp.float32),
        jax.ShapeDtypeStruct((ACC_ROWS, CNT_W), jnp.float32),
    ],
    mesh=plsc.VectorSubcoreMesh(core_axis_name="c", subcore_axis_name="s"),
    scratch_types=[
        pltpu.VMEM((CHUNKS_PER_WORKER, CH), jnp.int32),
        pltpu.VMEM((CHUNKS_PER_WORKER, CH), jnp.int32),
        pltpu.VMEM((10, CH, D_HID), jnp.float32),
        pltpu.SemaphoreType.DMA,
        pltpu.SemaphoreType.DMA,
        pltpu.SemaphoreType.DMA,
        pltpu.VMEM((HALF_A, D_HID), jnp.float32),
        pltpu.VMEM((HALF_A, D_HID), jnp.float32),
        pltpu.VMEM((HALF_A, CNT_W), jnp.float32),
        pltpu.VMEM((HALF_A, CNT_W), jnp.float32),
        pltpu.VMEM((HALF_A, D_HID), jnp.float32),
        pltpu.VMEM((D_HID,), jnp.float32),
        pltpu.VMEM_SHARED((ACC_ROWS, D_HID), jnp.float32),
        pltpu.VMEM_SHARED((ACC_ROWS, D_HID), jnp.float32),
    ],
    compiler_params=_SC_PARAMS,
)



def _proj_body(x_ref, wl_ref, wr_ref, p_ref, r_ref):
    x = x_ref[...]
    p_ref[...] = jnp.dot(x, wl_ref[...], preferred_element_type=jnp.float32)
    r_ref[...] = jnp.dot(x, wr_ref[...], preferred_element_type=jnp.float32)


_PROJ_BLOCK = 1264

_proj = pl.pallas_call(
    _proj_body,
    grid=(ACC_ROWS // _PROJ_BLOCK,),
    in_specs=[
        pl.BlockSpec((_PROJ_BLOCK, D_IN), lambda i: (i, 0)),
        pl.BlockSpec((D_IN, D_HID), lambda i: (0, 0)),
        pl.BlockSpec((D_IN, D_HID), lambda i: (0, 0)),
    ],
    out_specs=[
        pl.BlockSpec((_PROJ_BLOCK, D_HID), lambda i: (i, 0)),
        pl.BlockSpec((_PROJ_BLOCK, D_HID), lambda i: (i, 0)),
    ],
    out_shape=[
        jax.ShapeDtypeStruct((ACC_ROWS, D_HID), jnp.float32),
        jax.ShapeDtypeStruct((ACC_ROWS, D_HID), jnp.float32),
    ],
)


def _out_body(sums_ref, inv_ref, h_ref, wl_ref, b_ref, wr_ref, o_ref):
    agg = (sums_ref[0] + sums_ref[1]) * inv_ref[:, 0:1]
    o = (jnp.dot(agg, wl_ref[...], preferred_element_type=jnp.float32)
         + b_ref[...]
         + jnp.dot(h_ref[...], wr_ref[...], preferred_element_type=jnp.float32))
    m = jnp.max(o, axis=1, keepdims=True)
    e = jnp.exp(o - m)
    o_ref[...] = o - m - jnp.log(jnp.sum(e, axis=1, keepdims=True))


_out_final = pl.pallas_call(
    _out_body,
    grid=(N_NODES // ROW_BLOCK,),
    in_specs=[
        pl.BlockSpec((NC, ROW_BLOCK, D_HID), lambda i: (0, i, 0)),
        pl.BlockSpec((ROW_BLOCK, CNT_W), lambda i: (i, 0)),
        pl.BlockSpec((ROW_BLOCK, D_HID), lambda i: (i, 0)),
        pl.BlockSpec((D_HID, D_OUT), lambda i: (0, 0)),
        pl.BlockSpec((1, D_OUT), lambda i: (0, 0)),
        pl.BlockSpec((D_HID, D_OUT), lambda i: (0, 0)),
    ],
    out_specs=pl.BlockSpec((ROW_BLOCK, D_OUT), lambda i: (i, 0)),
    out_shape=jax.ShapeDtypeStruct((N_NODES, D_OUT), jnp.float32),
)



def kernel(x, edge_index, W1_l, b1, W1_r, W2_l, b2, W2_r):
    ei = edge_index.astype(jnp.int32).reshape(2, NW, CHUNKS_PER_WORKER, CH)

    zeros_s = jnp.zeros((ACC_ROWS, D_HID), jnp.float32)
    zeros_c = jnp.zeros((ACC_ROWS, CNT_W), jnp.float32)
    ones_b = jnp.ones((CH, CNT_W), jnp.float32)

    p1, r1 = _proj(x, W1_l, W1_r)
    sums1, cnt = _seg_sum_counts(p1, ei, zeros_s, zeros_c, ones_b)
    sums2, h, inv = _layer2(sums1, cnt, r1, b1, ei, zeros_s)
    return _out_final(sums2, inv, h, W2_l, b2.reshape(1, D_OUT), W2_r)

# --- scband reference (transcript-rebuilt; emitter-appended) ---
"""Pipeline reference for scband-sagenet-52613349376275 (READ-ONLY COPY).

The authoritative reference and input builder live on the scoring server;
editing this copy changes nothing except your own understanding.
"""

import jax, jax.numpy as jnp
import numpy as np

N_NODES = 10000
N_EDGES = 320000
D_IN = 128
D_HID = 32
D_OUT = 128


def setup_inputs(seed: int = 0) -> dict:
    key = jax.random.key(seed)
    ks = jax.random.split(key, 8)
    x = jax.random.normal(ks[0], (N_NODES, D_IN), dtype=jnp.float32)
    edge_index = jax.random.randint(ks[1], (2, N_EDGES), 0, N_NODES, dtype=jnp.int64)
    # SAGEConv params: lin_l (applied to aggregated neighbors, has bias), lin_r (applied to root, no bias)
    W1_l = jax.random.normal(ks[2], (D_IN, D_HID), dtype=jnp.float32) * 0.05
    b1 = jnp.zeros((D_HID,), dtype=jnp.float32)
    W1_r = jax.random.normal(ks[3], (D_IN, D_HID), dtype=jnp.float32) * 0.05
    W2_l = jax.random.normal(ks[4], (D_HID, D_OUT), dtype=jnp.float32) * 0.05
    b2 = jnp.zeros((D_OUT,), dtype=jnp.float32)
    W2_r = jax.random.normal(ks[5], (D_HID, D_OUT), dtype=jnp.float32) * 0.05
    return {"x": x, "edge_index": edge_index, "W1_l": W1_l, "b1": b1, "W1_r": W1_r, "W2_l": W2_l, "b2": b2, "W2_r": W2_r}


def _sage_conv(x, src, dst, W_l, b, W_r):
    # PyG SAGEConv (aggr='mean', normalize=False, root_weight=True):
    # out = lin_l(mean_{j in N(i)} x_j) + lin_r(x_i)
    msgs = jnp.take(x, src, axis=0)
    summed = jax.ops.segment_sum(msgs, dst, num_segments=N_NODES)
    counts = jax.ops.segment_sum(jnp.ones((src.shape[0],), dtype=x.dtype), dst, num_segments=N_NODES)
    agg = summed / jnp.clip(counts, 1.0, None)[:, None]
    return agg @ W_l + b + x @ W_r


def reference(x, edge_index, W1_l, b1, W1_r, W2_l, b2, W2_r):
    src = edge_index[0]
    dst = edge_index[1]
    h = _sage_conv(x, src, dst, W1_l, b1, W1_r)
    h = jax.nn.relu(h)
    # dropout(p=0.5) is identity in eval mode
    out = _sage_conv(h, src, dst, W2_l, b2, W2_r)
    return jax.nn.log_softmax(out, axis=1)

if __name__ == "__main__":
    import jax
    _d = setup_inputs()
    print(jax.jit(kernel)(*tuple(_d.values())))

</pallas_src>

<mosaic_0001>
#map = affine_map<(d0, d1) -> (0, 0)>
#map1 = affine_map<(d0, d1) -> (0, 0, 0, 0)>
#map2 = affine_map<(d0, d1) -> (0, 0, 0)>
module attributes {stable_mosaic.version = 14 : i64} {
  func.func @_l1_body(%arg0: i32, %arg1: i32, %arg2: memref<10112x32xf32, #tpu.memory_space<hbm>>, %arg3: memref<2x32x125x80xi32, #tpu.memory_space<hbm>>, %arg4: memref<10112x32xf32, #tpu.memory_space<hbm>>, %arg5: memref<10112x16xf32, #tpu.memory_space<hbm>>, %arg6: memref<80x16xf32, #tpu.memory_space<hbm>>, %arg7: memref<2x10112x32xf32, #tpu.memory_space<hbm>>, %arg8: memref<2x10112x16xf32, #tpu.memory_space<hbm>>, %arg9: memref<125x80xi32, #tpu.memory_space<vmem>>, %arg10: memref<125x80xi32, #tpu.memory_space<vmem>>, %arg11: memref<10x80x32xf32, #tpu.memory_space<vmem>>, %arg12: memref<!tpu.dma_semaphore, #tpu.memory_space<semaphore_mem>>, %arg13: memref<80x16xf32, #tpu.memory_space<vmem>>, %arg14: memref<!tpu.dma_semaphore, #tpu.memory_space<semaphore_mem>>, %arg15: memref<!tpu.dma_semaphore, #tpu.memory_space<semaphore_mem>>, %arg16: memref<10112x32xf32, #tpu.memory_space<vmem_shared>>, %arg17: memref<10112x16xf32, #tpu.memory_space<vmem_shared>>) attributes {dimension_semantics = [#tpu.dimension_semantics<core_parallel>, #tpu.dimension_semantics<subcore_parallel>], iteration_bounds = array<i64: 2, 16>, scalar_prefetch = 0 : i64, scratch_operands = 9 : i64, tpu.core_type = #tpu.core_type<sc_vector_subcore>, window_params = [{transform_indices = #map}, {transform_indices = #map1}, {transform_indices = #map}, {transform_indices = #map}, {transform_indices = #map}, {transform_indices = #map2}, {transform_indices = #map2}]} {
    %mul3A = arith.constant 2 : i32
    %mul3A_0 = arith.muli %arg1, %mul3A : i32
    %add3A = arith.addi %mul3A_0, %arg0 : i32
    %mul3A_1 = arith.constant 632 : i32
    %mul3A_2 = arith.muli %arg1, %mul3A_1 : i32
    "tpu.region"() ({
      %run_scoped3A_81 = tpu.sem_alloc : memref<!tpu.dma_semaphore, #tpu.memory_space<semaphore_mem>>
      %dma_start3A_82 = arith.constant 0 : i32
      %dma_start3A_83 = tpu.memref_slice %arg16[%mul3A_2, %dma_start3A_82] : memref<10112x32xf32, #tpu.memory_space<vmem_shared>> -> memref<632x32xf32, #tpu.memory_space<vmem_shared>>
      %dma_start3A_84 = arith.constant 0 : i32
      %dma_start3A_85 = tpu.memref_slice %arg4[%mul3A_2, %dma_start3A_84] : memref<10112x32xf32, #tpu.memory_space<hbm>> -> memref<632x32xf32, #tpu.memory_space<hbm>>
      tpu.enqueue_dma source(%dma_start3A_85 : memref<632x32xf32, #tpu.memory_space<hbm>>) target(%dma_start3A_83 : memref<632x32xf32, #tpu.memory_space<vmem_shared>>) target_semaphore(%run_scoped3A_81 : memref<!tpu.dma_semaphore, #tpu.memory_space<semaphore_mem>>)
      %dma_wait3A = arith.constant 0 : i32
      %dma_wait3A_86 = tpu.memref_slice %arg16[%mul3A_2, %dma_wait3A] : memref<10112x32xf32, #tpu.memory_space<vmem_shared>> -> memref<632x32xf32, #tpu.memory_space<vmem_shared>>
      %dma_wait3A_87 = arith.constant 0 : i32
      %dma_wait3A_88 = tpu.memref_slice %arg4[%mul3A_2, %dma_wait3A_87] : memref<10112x32xf32, #tpu.memory_space<hbm>> -> memref<632x32xf32, #tpu.memory_space<hbm>>
      tpu.wait_dma2 semaphore(%run_scoped3A_81 : memref<!tpu.dma_semaphore, #tpu.memory_space<semaphore_mem>>) src(%dma_wait3A_88 : memref<632x32xf32, #tpu.memory_space<hbm>>) dst(%dma_wait3A_86 : memref<632x32xf32, #tpu.memory_space<vmem_shared>>)
      tpu.yield
    }) : () -> ()
    "tpu.region"() ({
      %run_scoped3A_81 = tpu.sem_alloc : memref<!tpu.dma_semaphore, #tpu.memory_space<semaphore_mem>>
      %dma_start3A_82 = arith.constant 0 : i32
      %dma_start3A_83 = tpu.memref_slice %arg17[%mul3A_2, %dma_start3A_82] : memref<10112x16xf32, #tpu.memory_space<vmem_shared>> -> memref<632x16xf32, #tpu.memory_space<vmem_shared>>
      %dma_start3A_84 = arith.constant 0 : i32
      %dma_start3A_85 = tpu.memref_slice %arg5[%mul3A_2, %dma_start3A_84] : memref<10112x16xf32, #tpu.memory_space<hbm>> -> memref<632x16xf32, #tpu.memory_space<hbm>>
      tpu.enqueue_dma source(%dma_start3A_85 : memref<632x16xf32, #tpu.memory_space<hbm>>) target(%dma_start3A_83 : memref<632x16xf32, #tpu.memory_space<vmem_shared>>) target_semaphore(%run_scoped3A_81 : memref<!tpu.dma_semaphore, #tpu.memory_space<semaphore_mem>>)
      %dma_wait3A = arith.constant 0 : i32
      %dma_wait3A_86 = tpu.memref_slice %arg17[%mul3A_2, %dma_wait3A] : memref<10112x16xf32, #tpu.memory_space<vmem_shared>> -> memref<632x16xf32, #tpu.memory_space<vmem_shared>>
      %dma_wait3A_87 = arith.constant 0 : i32
      %dma_wait3A_88 = tpu.memref_slice %arg5[%mul3A_2, %dma_wait3A_87] : memref<10112x16xf32, #tpu.memory_space<hbm>> -> memref<632x16xf32, #tpu.memory_space<hbm>>
      tpu.wait_dma2 semaphore(%run_scoped3A_81 : memref<!tpu.dma_semaphore, #tpu.memory_space<semaphore_mem>>) src(%dma_wait3A_88 : memref<632x16xf32, #tpu.memory_space<hbm>>) dst(%dma_wait3A_86 : memref<632x16xf32, #tpu.memory_space<vmem_shared>>)
      tpu.yield
    }) : () -> ()
    "tpu.region"() ({
      %run_scoped3A_81 = tpu.sem_alloc : memref<!tpu.dma_semaphore, #tpu.memory_space<semaphore_mem>>
      tpu.enqueue_dma source(%arg6 : memref<80x16xf32, #tpu.memory_space<hbm>>) target(%arg13 : memref<80x16xf32, #tpu.memory_space<vmem>>) target_semaphore(%run_scoped3A_81 : memref<!tpu.dma_semaphore, #tpu.memory_space<semaphore_mem>>)
      tpu.wait_dma2 semaphore(%run_scoped3A_81 : memref<!tpu.dma_semaphore, #tpu.memory_space<semaphore_mem>>) src(%arg6 : memref<80x16xf32, #tpu.memory_space<hbm>>) dst(%arg13 : memref<80x16xf32, #tpu.memory_space<vmem>>)
      tpu.yield
    }) : () -> ()
    %run_scoped3A = arith.constant 0 : i32
    "tpu.region"() ({
      %run_scoped3A_81 = tpu.sem_alloc : memref<!tpu.dma_semaphore, #tpu.memory_space<semaphore_mem>>
      %dma_start3A_82 = arith.constant 0 : i32
      %dma_start3A_83 = arith.constant 0 : i32
      %dma_start3A_84 = tpu.memref_slice %arg3[%run_scoped3A, %add3A, %dma_start3A_82, %dma_start3A_83] : memref<2x32x125x80xi32, #tpu.memory_space<hbm>> -> memref<1x1x125x80xi32, #tpu.memory_space<hbm>>
      %dma_start3A_85 = tpu.memref_squeeze %dma_start3A_84 : memref<1x1x125x80xi32, #tpu.memory_space<hbm>> -> memref<125x80xi32, #tpu.memory_space<hbm>>
      %dma_start3A_86 = arith.constant 0 : i32
      %dma_start3A_87 = arith.constant 0 : i32
      %dma_start3A_88 = tpu.memref_slice %arg3[%run_scoped3A, %add3A, %dma_start3A_86, %dma_start3A_87] : memref<2x32x125x80xi32, #tpu.memory_space<hbm>> -> memref<1x1x125x80xi32, #tpu.memory_space<hbm>>
      %dma_start3A_89 = tpu.memref_squeeze %dma_start3A_88 : memref<1x1x125x80xi32, #tpu.memory_space<hbm>> -> memref<125x80xi32, #tpu.memory_space<hbm>>
      tpu.enqueue_dma source(%dma_start3A_89 : memref<125x80xi32, #tpu.memory_space<hbm>>) target(%arg9 : memref<125x80xi32, #tpu.memory_space<vmem>>) target_semaphore(%run_scoped3A_81 : memref<!tpu.dma_semaphore, #tpu.memory_space<semaphore_mem>>)
      %dma_wait3A = arith.constant 0 : i32
      %dma_wait3A_90 = arith.constant 0 : i32
      %dma_wait3A_91 = tpu.memref_slice %arg3[%run_scoped3A, %add3A, %dma_wait3A, %dma_wait3A_90] : memref<2x32x125x80xi32, #tpu.memory_space<hbm>> -> memref<1x1x125x80xi32, #tpu.memory_space<hbm>>
      %dma_wait3A_92 = tpu.memref_squeeze %dma_wait3A_91 : memref<1x1x125x80xi32, #tpu.memory_space<hbm>> -> memref<125x80xi32, #tpu.memory_space<hbm>>
      %dma_wait3A_93 = arith.constant 0 : i32
      %dma_wait3A_94 = arith.constant 0 : i32
      %dma_wait3A_95 = tpu.memref_slice %arg3[%run_scoped3A, %add3A, %dma_wait3A_93, %dma_wait3A_94] : memref<2x32x125x80xi32, #tpu.memory_space<hbm>> -> memref<1x1x125x80xi32, #tpu.memory_space<hbm>>
      %dma_wait3A_96 = tpu.memref_squeeze %dma_wait3A_95 : memref<1x1x125x80xi32, #tpu.memory_space<hbm>> -> memref<125x80xi32, #tpu.memory_space<hbm>>
      tpu.wait_dma2 semaphore(%run_scoped3A_81 : memref<!tpu.dma_semaphore, #tpu.memory_space<semaphore_mem>>) src(%dma_wait3A_96 : memref<125x80xi32, #tpu.memory_space<hbm>>) dst(%arg9 : memref<125x80xi32, #tpu.memory_space<vmem>>)
      tpu.yield
    }) : () -> ()
    %run_scoped3A_3 = arith.constant 1 : i32
    "tpu.region"() ({
      %run_scoped3A_81 = tpu.sem_alloc : memref<!tpu.dma_semaphore, #tpu.memory_space<semaphore_mem>>
      %dma_start3A_82 = arith.constant 0 : i32
      %dma_start3A_83 = arith.constant 0 : i32
      %dma_start3A_84 = tpu.memref_slice %arg3[%run_scoped3A_3, %add3A, %dma_start3A_82, %dma_start3A_83] : memref<2x32x125x80xi32, #tpu.memory_space<hbm>> -> memref<1x1x125x80xi32, #tpu.memory_space<hbm>>
      %dma_start3A_85 = tpu.memref_squeeze %dma_start3A_84 : memref<1x1x125x80xi32, #tpu.memory_space<hbm>> -> memref<125x80xi32, #tpu.memory_space<hbm>>
      %dma_start3A_86 = arith.constant 0 : i32
      %dma_start3A_87 = arith.constant 0 : i32
      %dma_start3A_88 = tpu.memref_slice %arg3[%run_scoped3A_3, %add3A, %dma_start3A_86, %dma_start3A_87] : memref<2x32x125x80xi32, #tpu.memory_space<hbm>> -> memref<1x1x125x80xi32, #tpu.memory_space<hbm>>
      %dma_start3A_89 = tpu.memref_squeeze %dma_start3A_88 : memref<1x1x125x80xi32, #tpu.memory_space<hbm>> -> memref<125x80xi32, #tpu.memory_space<hbm>>
      tpu.enqueue_dma source(%dma_start3A_89 : memref<125x80xi32, #tpu.memory_space<hbm>>) target(%arg10 : memref<125x80xi32, #tpu.memory_space<vmem>>) target_semaphore(%run_scoped3A_81 : memref<!tpu.dma_semaphore, #tpu.memory_space<semaphore_mem>>)
      %dma_wait3A = arith.constant 0 : i32
      %dma_wait3A_90 = arith.constant 0 : i32
      %dma_wait3A_91 = tpu.memref_slice %arg3[%run_scoped3A_3, %add3A, %dma_wait3A, %dma_wait3A_90] : memref<2x32x125x80xi32, #tpu.memory_space<hbm>> -> memref<1x1x125x80xi32, #tpu.memory_space<hbm>>
      %dma_wait3A_92 = tpu.memref_squeeze %dma_wait3A_91 : memref<1x1x125x80xi32, #tpu.memory_space<hbm>> -> memref<125x80xi32, #tpu.memory_space<hbm>>
      %dma_wait3A_93 = arith.constant 0 : i32
      %dma_wait3A_94 = arith.constant 0 : i32
      %dma_wait3A_95 = tpu.memref_slice %arg3[%run_scoped3A_3, %add3A, %dma_wait3A_93, %dma_wait3A_94] : memref<2x32x125x80xi32, #tpu.memory_space<hbm>> -> memref<1x1x125x80xi32, #tpu.memory_space<hbm>>
      %dma_wait3A_96 = tpu.memref_squeeze %dma_wait3A_95 : memref<1x1x125x80xi32, #tpu.memory_space<hbm>> -> memref<125x80xi32, #tpu.memory_space<hbm>>
      tpu.wait_dma2 semaphore(%run_scoped3A_81 : memref<!tpu.dma_semaphore, #tpu.memory_space<semaphore_mem>>) src(%dma_wait3A_96 : memref<125x80xi32, #tpu.memory_space<hbm>>) dst(%arg10 : memref<125x80xi32, #tpu.memory_space<vmem>>)
      tpu.yield
    }) : () -> ()
    %barrier3A = arith.constant 0 : index
    tpu.barrier barrier_id(%barrier3A)
    %dma_start3A = arith.constant 0 : i32
    %dma_start3A_4 = arith.constant 0 : i32
    %dma_start3A_5 = arith.constant 0 : i32
    %dma_start3A_6 = arith.constant 0 : i32
    %dma_start3A_7 = tpu.memref_slice %arg11[%dma_start3A_4, %dma_start3A_5, %dma_start3A_6] : memref<10x80x32xf32, #tpu.memory_space<vmem>> -> memref<1x80x32xf32, #tpu.memory_space<vmem>>
    %dma_start3A_8 = tpu.memref_squeeze %dma_start3A_7 : memref<1x80x32xf32, #tpu.memory_space<vmem>> -> memref<80x32xf32, #tpu.memory_space<vmem>>
    %dma_start3A_9 = arith.constant 0 : i32
    %dma_start3A_10 = tpu.memref_slice %arg9[%dma_start3A, %dma_start3A_9] : memref<125x80xi32, #tpu.memory_space<vmem>> -> memref<1x80xi32, #tpu.memory_space<vmem>>
    %dma_start3A_11 = tpu.memref_squeeze %dma_start3A_10 : memref<1x80xi32, #tpu.memory_space<vmem>> -> memref<80xi32, #tpu.memory_space<vmem>>
    %dma_start3A_12 = arith.constant 0 : i32
    %dma_start3A_13 = arith.constant 0 : i32
    %dma_start3A_14 = tpu.memref_slice %arg2[%dma_start3A_12, %dma_start3A_13] : memref<10112x32xf32, #tpu.memory_space<hbm>> -> memref<10112x32xf32, #tpu.memory_space<hbm>>
    tpu.enqueue_indirect_dma source(%dma_start3A_14 : memref<10112x32xf32, #tpu.memory_space<hbm>>) target(%dma_start3A_8 : memref<80x32xf32, #tpu.memory_space<vmem>>) offsets(%dma_start3A_11 : memref<80xi32, #tpu.memory_space<vmem>>) semaphore(%arg12 : memref<!tpu.dma_semaphore, #tpu.memory_space<semaphore_mem>>)
    %dma_start3A_15 = arith.constant 1 : i32
    %dma_start3A_16 = arith.constant 1 : i32
    %dma_start3A_17 = arith.constant 0 : i32
    %dma_start3A_18 = arith.constant 0 : i32
    %dma_start3A_19 = tpu.memref_slice %arg11[%dma_start3A_16, %dma_start3A_17, %dma_start3A_18] : memref<10x80x32xf32, #tpu.memory_space<vmem>> -> memref<1x80x32xf32, #tpu.memory_space<vmem>>
    %dma_start3A_20 = tpu.memref_squeeze %dma_start3A_19 : memref<1x80x32xf32, #tpu.memory_space<vmem>> -> memref<80x32xf32, #tpu.memory_space<vmem>>
    %dma_start3A_21 = arith.constant 0 : i32
    %dma_start3A_22 = tpu.memref_slice %arg9[%dma_start3A_15, %dma_start3A_21] : memref<125x80xi32, #tpu.memory_space<vmem>> -> memref<1x80xi32, #tpu.memory_space<vmem>>
    %dma_start3A_23 = tpu.memref_squeeze %dma_start3A_22 : memref<1x80xi32, #tpu.memory_space<vmem>> -> memref<80xi32, #tpu.memory_space<vmem>>
    %dma_start3A_24 = arith.constant 0 : i32
    %dma_start3A_25 = arith.constant 0 : i32
    %dma_start3A_26 = tpu.memref_slice %arg2[%dma_start3A_24, %dma_start3A_25] : memref<10112x32xf32, #tpu.memory_space<hbm>> -> memref<10112x32xf32, #tpu.memory_space<hbm>>
    tpu.enqueue_indirect_dma source(%dma_start3A_26 : memref<10112x32xf32, #tpu.memory_space<hbm>>) target(%dma_start3A_20 : memref<80x32xf32, #tpu.memory_space<vmem>>) offsets(%dma_start3A_23 : memref<80xi32, #tpu.memory_space<vmem>>) semaphore(%arg12 : memref<!tpu.dma_semaphore, #tpu.memory_space<semaphore_mem>>)
    %dma_start3A_27 = arith.constant 2 : i32
    %dma_start3A_28 = arith.constant 2 : i32
    %dma_start3A_29 = arith.constant 0 : i32
    %dma_start3A_30 = arith.constant 0 : i32
    %dma_start3A_31 = tpu.memref_slice %arg11[%dma_start3A_28, %dma_start3A_29, %dma_start3A_30] : memref<10x80x32xf32, #tpu.memory_space<vmem>> -> memref<1x80x32xf32, #tpu.memory_space<vmem>>
    %dma_start3A_32 = tpu.memref_squeeze %dma_start3A_31 : memref<1x80x32xf32, #tpu.memory_space<vmem>> -> memref<80x32xf32, #tpu.memory_space<vmem>>
    %dma_start3A_33 = arith.constant 0 : i32
    %dma_start3A_34 = tpu.memref_slice %arg9[%dma_start3A_27, %dma_start3A_33] : memref<125x80xi32, #tpu.memory_space<vmem>> -> memref<1x80xi32, #tpu.memory_space<vmem>>
    %dma_start3A_35 = tpu.memref_squeeze %dma_start3A_34 : memref<1x80xi32, #tpu.memory_space<vmem>> -> memref<80xi32, #tpu.memory_space<vmem>>
    %dma_start3A_36 = arith.constant 0 : i32
    %dma_start3A_37 = arith.constant 0 : i32
    %dma_start3A_38 = tpu.memref_slice %arg2[%dma_start3A_36, %dma_start3A_37] : memref<10112x32xf32, #tpu.memory_space<hbm>> -> memref<10112x32xf32, #tpu.memory_space<hbm>>
    tpu.enqueue_indirect_dma source(%dma_start3A_38 : memref<10112x32xf32, #tpu.memory_space<hbm>>) target(%dma_start3A_32 : memref<80x32xf32, #tpu.memory_space<vmem>>) offsets(%dma_start3A_35 : memref<80xi32, #tpu.memory_space<vmem>>) semaphore(%arg12 : memref<!tpu.dma_semaphore, #tpu.memory_space<semaphore_mem>>)
    %dma_start3A_39 = arith.constant 3 : i32
    %dma_start3A_40 = arith.constant 3 : i32
    %dma_start3A_41 = arith.constant 0 : i32
    %dma_start3A_42 = arith.constant 0 : i32
    %dma_start3A_43 = tpu.memref_slice %arg11[%dma_start3A_40, %dma_start3A_41, %dma_start3A_42] : memref<10x80x32xf32, #tpu.memory_space<vmem>> -> memref<1x80x32xf32, #tpu.memory_space<vmem>>
    %dma_start3A_44 = tpu.memref_squeeze %dma_start3A_43 : memref<1x80x32xf32, #tpu.memory_space<vmem>> -> memref<80x32xf32, #tpu.memory_space<vmem>>
    %dma_start3A_45 = arith.constant 0 : i32
    %dma_start3A_46 = tpu.memref_slice %arg9[%dma_start3A_39, %dma_start3A_45] : memref<125x80xi32, #tpu.memory_space<vmem>> -> memref<1x80xi32, #tpu.memory_space<vmem>>
    %dma_start3A_47 = tpu.memref_squeeze %dma_start3A_46 : memref<1x80xi32, #tpu.memory_space<vmem>> -> memref<80xi32, #tpu.memory_space<vmem>>
    %dma_start3A_48 = arith.constant 0 : i32
    %dma_start3A_49 = arith.constant 0 : i32
    %dma_start3A_50 = tpu.memref_slice %arg2[%dma_start3A_48, %dma_start3A_49] : memref<10112x32xf32, #tpu.memory_space<hbm>> -> memref<10112x32xf32, #tpu.memory_space<hbm>>
    tpu.enqueue_indirect_dma source(%dma_start3A_50 : memref<10112x32xf32, #tpu.memory_space<hbm>>) target(%dma_start3A_44 : memref<80x32xf32, #tpu.memory_space<vmem>>) offsets(%dma_start3A_47 : memref<80xi32, #tpu.memory_space<vmem>>) semaphore(%arg12 : memref<!tpu.dma_semaphore, #tpu.memory_space<semaphore_mem>>)
    %dma_start3A_51 = arith.constant 4 : i32
    %dma_start3A_52 = arith.constant 4 : i32
    %dma_start3A_53 = arith.constant 0 : i32
    %dma_start3A_54 = arith.constant 0 : i32
    %dma_start3A_55 = tpu.memref_slice %arg11[%dma_start3A_52, %dma_start3A_53, %dma_start3A_54] : memref<10x80x32xf32, #tpu.memory_space<vmem>> -> memref<1x80x32xf32, #tpu.memory_space<vmem>>
    %dma_start3A_56 = tpu.memref_squeeze %dma_start3A_55 : memref<1x80x32xf32, #tpu.memory_space<vmem>> -> memref<80x32xf32, #tpu.memory_space<vmem>>
    %dma_start3A_57 = arith.constant 0 : i32
    %dma_start3A_58 = tpu.memref_slice %arg9[%dma_start3A_51, %dma_start3A_57] : memref<125x80xi32, #tpu.memory_space<vmem>> -> memref<1x80xi32, #tpu.memory_space<vmem>>
    %dma_start3A_59 = tpu.memref_squeeze %dma_start3A_58 : memref<1x80xi32, #tpu.memory_space<vmem>> -> memref<80xi32, #tpu.memory_space<vmem>>
    %dma_start3A_60 = arith.constant 0 : i32
    %dma_start3A_61 = arith.constant 0 : i32
    %dma_start3A_62 = tpu.memref_slice %arg2[%dma_start3A_60, %dma_start3A_61] : memref<10112x32xf32, #tpu.memory_space<hbm>> -> memref<10112x32xf32, #tpu.memory_space<hbm>>
    tpu.enqueue_indirect_dma source(%dma_start3A_62 : memref<10112x32xf32, #tpu.memory_space<hbm>>) target(%dma_start3A_56 : memref<80x32xf32, #tpu.memory_space<vmem>>) offsets(%dma_start3A_59 : memref<80xi32, #tpu.memory_space<vmem>>) semaphore(%arg12 : memref<!tpu.dma_semaphore, #tpu.memory_space<semaphore_mem>>)
    %scan3A = arith.constant 0 : i32
    %scan3A_63 = arith.constant 0 : i32
    %scan3A_64 = arith.constant 125 : i32
    %scan3A_65 = arith.addi %scan3A_63, %scan3A_64 : i32
    %scan3A_66 = arith.constant 1 : i32
    scf.for %scan3A_81 = %scan3A_63 to %scan3A_65 step %scan3A_66  : i32 {
      %rem3A = arith.constant 10 : i32
      %rem3A_82 = arith.remsi %scan3A_81, %rem3A : i32
      %add3A_83 = arith.constant 5 : i32
      %add3A_84 = arith.addi %scan3A_81, %add3A_83 : i32
      %lt3A = arith.constant 125 : i32
      %lt3A_85 = arith.cmpi slt, %add3A_84, %lt3A : i32
      %convert_element_type3A = arith.extui %lt3A_85 : i1 to i32
      %cond3A = arith.constant 0 : i32
      %cond3A_86 = arith.cmpi ne, %convert_element_type3A, %cond3A : i32
      scf.if %cond3A_86 {
        %add3A_116 = arith.constant 5 : i32
        %add3A_117 = arith.addi %scan3A_81, %add3A_116 : i32
        %add3A_118 = arith.constant 5 : i32
        %add3A_119 = arith.addi %scan3A_81, %add3A_118 : i32
        %rem3A_120 = arith.constant 10 : i32
        %rem3A_121 = arith.remsi %add3A_119, %rem3A_120 : i32
        %dma_start3A_122 = arith.constant 0 : i32
        %dma_start3A_123 = arith.constant 0 : i32
        %dma_start3A_124 = tpu.memref_slice %arg11[%rem3A_121, %dma_start3A_122, %dma_start3A_123] : memref<10x80x32xf32, #tpu.memory_space<vmem>> -> memref<1x80x32xf32, #tpu.memory_space<vmem>>
        %dma_start3A_125 = tpu.memref_squeeze %dma_start3A_124 : memref<1x80x32xf32, #tpu.memory_space<vmem>> -> memref<80x32xf32, #tpu.memory_space<vmem>>
        %dma_start3A_126 = arith.constant 0 : i32
        %dma_start3A_127 = tpu.memref_slice %arg9[%add3A_117, %dma_start3A_126] : memref<125x80xi32, #tpu.memory_space<vmem>> -> memref<1x80xi32, #tpu.memory_space<vmem>>
        %dma_start3A_128 = tpu.memref_squeeze %dma_start3A_127 : memref<1x80xi32, #tpu.memory_space<vmem>> -> memref<80xi32, #tpu.memory_space<vmem>>
        %dma_start3A_129 = arith.constant 0 : i32
        %dma_start3A_130 = arith.constant 0 : i32
        %dma_start3A_131 = tpu.memref_slice %arg2[%dma_start3A_129, %dma_start3A_130] : memref<10112x32xf32, #tpu.memory_space<hbm>> -> memref<10112x32xf32, #tpu.memory_space<hbm>>
        tpu.enqueue_indirect_dma source(%dma_start3A_131 : memref<10112x32xf32, #tpu.memory_space<hbm>>) target(%dma_start3A_125 : memref<80x32xf32, #tpu.memory_space<vmem>>) offsets(%dma_start3A_128 : memref<80xi32, #tpu.memory_space<vmem>>) semaphore(%arg12 : memref<!tpu.dma_semaphore, #tpu.memory_space<semaphore_mem>>)
      } else {
      }
      %ge3A = arith.constant 4 : i32
      %ge3A_87 = arith.cmpi sge, %scan3A_81, %ge3A : i32
      %convert_element_type3A_88 = arith.extui %ge3A_87 : i1 to i32
      %cond3A_89 = arith.constant 0 : i32
      %cond3A_90 = arith.cmpi ne, %convert_element_type3A_88, %cond3A_89 : i32
      scf.if %cond3A_90 {
        %sub3A = arith.constant 4 : i32
        %sub3A_116 = arith.subi %scan3A_81, %sub3A : i32
        %rem3A_117 = arith.constant 10 : i32
        %rem3A_118 = arith.remsi %sub3A_116, %rem3A_117 : i32
        %sub3A_119 = arith.constant 4 : i32
        %sub3A_120 = arith.subi %scan3A_81, %sub3A_119 : i32
        %dma_wait3A_121 = arith.constant 0 : i32
        %dma_wait3A_122 = arith.constant 0 : i32
        %dma_wait3A_123 = tpu.memref_slice %arg11[%rem3A_118, %dma_wait3A_121, %dma_wait3A_122] : memref<10x80x32xf32, #tpu.memory_space<vmem>> -> memref<1x80x32xf32, #tpu.memory_space<vmem>>
        %dma_wait3A_124 = tpu.memref_squeeze %dma_wait3A_123 : memref<1x80x32xf32, #tpu.memory_space<vmem>> -> memref<80x32xf32, #tpu.memory_space<vmem>>
        %dma_wait3A_125 = arith.constant 0 : i32
        %dma_wait3A_126 = tpu.memref_slice %arg10[%sub3A_120, %dma_wait3A_125] : memref<125x80xi32, #tpu.memory_space<vmem>> -> memref<1x80xi32, #tpu.memory_space<vmem>>
        %dma_wait3A_127 = tpu.memref_squeeze %dma_wait3A_126 : memref<1x80xi32, #tpu.memory_space<vmem>> -> memref<80xi32, #tpu.memory_space<vmem>>
        %dma_wait3A_128 = arith.constant 0 : i32
        %dma_wait3A_129 = arith.constant 0 : i32
        %dma_wait3A_130 = tpu.memref_slice %arg16[%dma_wait3A_128, %dma_wait3A_129] : memref<10112x32xf32, #tpu.memory_space<vmem_shared>> -> memref<10112x32xf32, #tpu.memory_space<vmem_shared>>
        tpu.wait_indirect_dma semaphore(%arg15 : memref<!tpu.dma_semaphore, #tpu.memory_space<semaphore_mem>>) src(%dma_wait3A_124 : memref<80x32xf32, #tpu.memory_space<vmem>>) dst(%dma_wait3A_130 : memref<10112x32xf32, #tpu.memory_space<vmem_shared>>)
      } else {
      }
      %dma_wait3A = arith.constant 0 : i32
      %dma_wait3A_91 = arith.constant 0 : i32
      %dma_wait3A_92 = tpu.memref_slice %arg11[%rem3A_82, %dma_wait3A, %dma_wait3A_91] : memref<10x80x32xf32, #tpu.memory_space<vmem>> -> memref<1x80x32xf32, #tpu.memory_space<vmem>>
      %dma_wait3A_93 = tpu.memref_squeeze %dma_wait3A_92 : memref<1x80x32xf32, #tpu.memory_space<vmem>> -> memref<80x32xf32, #tpu.memory_space<vmem>>
      %dma_wait3A_94 = arith.constant 0 : i32
      %dma_wait3A_95 = tpu.memref_slice %arg9[%scan3A_81, %dma_wait3A_94] : memref<125x80xi32, #tpu.memory_space<vmem>> -> memref<1x80xi32, #tpu.memory_space<vmem>>
      %dma_wait3A_96 = tpu.memref_squeeze %dma_wait3A_95 : memref<1x80xi32, #tpu.memory_space<vmem>> -> memref<80xi32, #tpu.memory_space<vmem>>
      %dma_wait3A_97 = arith.constant 0 : i32
      %dma_wait3A_98 = arith.constant 0 : i32
      %dma_wait3A_99 = tpu.memref_slice %arg2[%dma_wait3A_97, %dma_wait3A_98] : memref<10112x32xf32, #tpu.memory_space<hbm>> -> memref<10112x32xf32, #tpu.memory_space<hbm>>
      tpu.wait_indirect_dma semaphore(%arg12 : memref<!tpu.dma_semaphore, #tpu.memory_space<semaphore_mem>>) src(%dma_wait3A_99 : memref<10112x32xf32, #tpu.memory_space<hbm>>) dst(%dma_wait3A_93 : memref<80x32xf32, #tpu.memory_space<vmem>>)
      %dma_start3A_100 = arith.constant 0 : i32
      %dma_start3A_101 = tpu.memref_slice %arg10[%scan3A_81, %dma_start3A_100] : memref<125x80xi32, #tpu.memory_space<vmem>> -> memref<1x80xi32, #tpu.memory_space<vmem>>
      %dma_start3A_102 = tpu.memref_squeeze %dma_start3A_101 : memref<1x80xi32, #tpu.memory_space<vmem>> -> memref<80xi32, #tpu.memory_space<vmem>>
      %dma_start3A_103 = arith.constant 0 : i32
      %dma_start3A_104 = arith.constant 0 : i32
      %dma_start3A_105 = tpu.memref_slice %arg17[%dma_start3A_103, %dma_start3A_104] : memref<10112x16xf32, #tpu.memory_space<vmem_shared>> -> memref<10112x16xf32, #tpu.memory_space<vmem_shared>>
      tpu.enqueue_indirect_dma source(%arg13 : memref<80x16xf32, #tpu.memory_space<vmem>>) target(%dma_start3A_105 : memref<10112x16xf32, #tpu.memory_space<vmem_shared>>) offsets(%dma_start3A_102 : memref<80xi32, #tpu.memory_space<vmem>>) semaphore(%arg14 : memref<!tpu.dma_semaphore, #tpu.memory_space<semaphore_mem>>) {add = true}
      %dma_start3A_106 = arith.constant 0 : i32
      %dma_start3A_107 = arith.constant 0 : i32
      %dma_start3A_108 = tpu.memref_slice %arg11[%rem3A_82, %dma_start3A_106, %dma_start3A_107] : memref<10x80x32xf32, #tpu.memory_space<vmem>> -> memref<1x80x32xf32, #tpu.memory_space<vmem>>
      %dma_start3A_109 = tpu.memref_squeeze %dma_start3A_108 : memref<1x80x32xf32, #tpu.memory_space<vmem>> -> memref<80x32xf32, #tpu.memory_space<vmem>>
      %dma_start3A_110 = arith.constant 0 : i32
      %dma_start3A_111 = tpu.memref_slice %arg10[%scan3A_81, %dma_start3A_110] : memref<125x80xi32, #tpu.memory_space<vmem>> -> memref<1x80xi32, #tpu.memory_space<vmem>>
      %dma_start3A_112 = tpu.memref_squeeze %dma_start3A_111 : memref<1x80xi32, #tpu.memory_space<vmem>> -> memref<80xi32, #tpu.memory_space<vmem>>
      %dma_start3A_113 = arith.constant 0 : i32
      %dma_start3A_114 = arith.constant 0 : i32
      %dma_start3A_115 = tpu.memref_slice %arg16[%dma_start3A_113, %dma_start3A_114] : memref<10112x32xf32, #tpu.memory_space<vmem_shared>> -> memref<10112x32xf32, #tpu.memory_space<vmem_shared>>
      tpu.enqueue_indirect_dma source(%dma_start3A_109 : memref<80x32xf32, #tpu.memory_space<vmem>>) target(%dma_start3A_115 : memref<10112x32xf32, #tpu.memory_space<vmem_shared>>) offsets(%dma_start3A_112 : memref<80xi32, #tpu.memory_space<vmem>>) semaphore(%arg15 : memref<!tpu.dma_semaphore, #tpu.memory_space<semaphore_mem>>) {add = true}
    }
    %scan3A_67 = arith.constant 125 : i32
    %scan3A_68 = arith.constant 0 : i32
    %scan3A_69 = arith.constant 0 : i32
    %scan3A_70 = arith.constant 4 : i32
    %scan3A_71 = arith.addi %scan3A_69, %scan3A_70 : i32
    %scan3A_72 = arith.constant 1 : i32
    scf.for %scan3A_81 = %scan3A_69 to %scan3A_71 step %scan3A_72  : i32 {
      %dma_wait3A = arith.constant 0 : i32
      %dma_wait3A_82 = arith.constant 0 : i32
      %dma_wait3A_83 = arith.constant 0 : i32
      %dma_wait3A_84 = arith.constant 0 : i32
      %dma_wait3A_85 = tpu.memref_slice %arg11[%dma_wait3A, %dma_wait3A_83, %dma_wait3A_84] : memref<10x80x32xf32, #tpu.memory_space<vmem>> -> memref<1x80x32xf32, #tpu.memory_space<vmem>>
      %dma_wait3A_86 = tpu.memref_squeeze %dma_wait3A_85 : memref<1x80x32xf32, #tpu.memory_space<vmem>> -> memref<80x32xf32, #tpu.memory_space<vmem>>
      %dma_wait3A_87 = arith.constant 0 : i32
      %dma_wait3A_88 = tpu.memref_slice %arg10[%dma_wait3A_82, %dma_wait3A_87] : memref<125x80xi32, #tpu.memory_space<vmem>> -> memref<1x80xi32, #tpu.memory_space<vmem>>
      %dma_wait3A_89 = tpu.memref_squeeze %dma_wait3A_88 : memref<1x80xi32, #tpu.memory_space<vmem>> -> memref<80xi32, #tpu.memory_space<vmem>>
      %dma_wait3A_90 = arith.constant 0 : i32
      %dma_wait3A_91 = arith.constant 0 : i32
      %dma_wait3A_92 = tpu.memref_slice %arg16[%dma_wait3A_90, %dma_wait3A_91] : memref<10112x32xf32, #tpu.memory_space<vmem_shared>> -> memref<10112x32xf32, #tpu.memory_space<vmem_shared>>
      tpu.wait_indirect_dma semaphore(%arg15 : memref<!tpu.dma_semaphore, #tpu.memory_space<semaphore_mem>>) src(%dma_wait3A_86 : memref<80x32xf32, #tpu.memory_space<vmem>>) dst(%dma_wait3A_92 : memref<10112x32xf32, #tpu.memory_space<vmem_shared>>)
    }
    %scan3A_73 = arith.constant 4 : i32
    %scan3A_74 = arith.constant 0 : i32
    %scan3A_75 = arith.constant 0 : i32
    %scan3A_76 = arith.constant 125 : i32
    %scan3A_77 = arith.addi %scan3A_75, %scan3A_76 : i32
    %scan3A_78 = arith.constant 1 : i32
    scf.for %scan3A_81 = %scan3A_75 to %scan3A_77 step %scan3A_78  : i32 {
      %dma_wait3A = arith.constant 0 : i32
      %dma_wait3A_82 = arith.constant 0 : i32
      %dma_wait3A_83 = tpu.memref_slice %arg10[%dma_wait3A, %dma_wait3A_82] : memref<125x80xi32, #tpu.memory_space<vmem>> -> memref<1x80xi32, #tpu.memory_space<vmem>>
      %dma_wait3A_84 = tpu.memref_squeeze %dma_wait3A_83 : memref<1x80xi32, #tpu.memory_space<vmem>> -> memref<80xi32, #tpu.memory_space<vmem>>
      %dma_wait3A_85 = arith.constant 0 : i32
      %dma_wait3A_86 = arith.constant 0 : i32
      %dma_wait3A_87 = tpu.memref_slice %arg17[%dma_wait3A_85, %dma_wait3A_86] : memref<10112x16xf32, #tpu.memory_space<vmem_shared>> -> memref<10112x16xf32, #tpu.memory_space<vmem_shared>>
      tpu.wait_indirect_dma semaphore(%arg14 : memref<!tpu.dma_semaphore, #tpu.memory_space<semaphore_mem>>) src(%arg13 : memref<80x16xf32, #tpu.memory_space<vmem>>) dst(%dma_wait3A_87 : memref<10112x16xf32, #tpu.memory_space<vmem_shared>>)
    }
    %scan3A_79 = arith.constant 125 : i32
    %barrier3A_80 = arith.constant 0 : index
    tpu.barrier barrier_id(%barrier3A_80)
    "tpu.region"() ({
      %run_scoped3A_81 = tpu.sem_alloc : memref<!tpu.dma_semaphore, #tpu.memory_space<semaphore_mem>>
      %dma_start3A_82 = arith.constant 0 : i32
      %dma_start3A_83 = tpu.memref_slice %arg7[%arg0, %mul3A_2, %dma_start3A_82] : memref<2x10112x32xf32, #tpu.memory_space<hbm>> -> memref<1x632x32xf32, #tpu.memory_space<hbm>>
      %dma_start3A_84 = tpu.memref_squeeze %dma_start3A_83 : memref<1x632x32xf32, #tpu.memory_space<hbm>> -> memref<632x32xf32, #tpu.memory_space<hbm>>
      %dma_start3A_85 = arith.constant 0 : i32
      %dma_start3A_86 = tpu.memref_slice %arg16[%mul3A_2, %dma_start3A_85] : memref<10112x32xf32, #tpu.memory_space<vmem_shared>> -> memref<632x32xf32, #tpu.memory_space<vmem_shared>>
      tpu.enqueue_dma source(%dma_start3A_86 : memref<632x32xf32, #tpu.memory_space<vmem_shared>>) target(%dma_start3A_84 : memref<632x32xf32, #tpu.memory_space<hbm>>) target_semaphore(%run_scoped3A_81 : memref<!tpu.dma_semaphore, #tpu.memory_space<semaphore_mem>>)
      %dma_wait3A = arith.constant 0 : i32
      %dma_wait3A_87 = tpu.memref_slice %arg7[%arg0, %mul3A_2, %dma_wait3A] : memref<2x10112x32xf32, #tpu.memory_space<hbm>> -> memref<1x632x32xf32, #tpu.memory_space<hbm>>
      %dma_wait3A_88 = tpu.memref_squeeze %dma_wait3A_87 : memref<1x632x32xf32, #tpu.memory_space<hbm>> -> memref<632x32xf32, #tpu.memory_space<hbm>>
      %dma_wait3A_89 = arith.constant 0 : i32
      %dma_wait3A_90 = tpu.memref_slice %arg16[%mul3A_2, %dma_wait3A_89] : memref<10112x32xf32, #tpu.memory_space<vmem_shared>> -> memref<632x32xf32, #tpu.memory_space<vmem_shared>>
      tpu.wait_dma2 semaphore(%run_scoped3A_81 : memref<!tpu.dma_semaphore, #tpu.memory_space<semaphore_mem>>) src(%dma_wait3A_90 : memref<632x32xf32, #tpu.memory_space<vmem_shared>>) dst(%dma_wait3A_88 : memref<632x32xf32, #tpu.memory_space<hbm>>)
      tpu.yield
    }) : () -> ()
    "tpu.region"() ({
      %run_scoped3A_81 = tpu.sem_alloc : memref<!tpu.dma_semaphore, #tpu.memory_space<semaphore_mem>>
      %dma_start3A_82 = arith.constant 0 : i32
      %dma_start3A_83 = tpu.memref_slice %arg8[%arg0, %mul3A_2, %dma_start3A_82] : memref<2x10112x16xf32, #tpu.memory_space<hbm>> -> memref<1x632x16xf32, #tpu.memory_space<hbm>>
      %dma_start3A_84 = tpu.memref_squeeze %dma_start3A_83 : memref<1x632x16xf32, #tpu.memory_space<hbm>> -> memref<632x16xf32, #tpu.memory_space<hbm>>
      %dma_start3A_85 = arith.constant 0 : i32
      %dma_start3A_86 = tpu.memref_slice %arg17[%mul3A_2, %dma_start3A_85] : memref<10112x16xf32, #tpu.memory_space<vmem_shared>> -> memref<632x16xf32, #tpu.memory_space<vmem_shared>>
      tpu.enqueue_dma source(%dma_start3A_86 : memref<632x16xf32, #tpu.memory_space<vmem_shared>>) target(%dma_start3A_84 : memref<632x16xf32, #tpu.memory_space<hbm>>) target_semaphore(%run_scoped3A_81 : memref<!tpu.dma_semaphore, #tpu.memory_space<semaphore_mem>>)
      %dma_wait3A = arith.constant 0 : i32
      %dma_wait3A_87 = tpu.memref_slice %arg8[%arg0, %mul3A_2, %dma_wait3A] : memref<2x10112x16xf32, #tpu.memory_space<hbm>> -> memref<1x632x16xf32, #tpu.memory_space<hbm>>
      %dma_wait3A_88 = tpu.memref_squeeze %dma_wait3A_87 : memref<1x632x16xf32, #tpu.memory_space<hbm>> -> memref<632x16xf32, #tpu.memory_space<hbm>>
      %dma_wait3A_89 = arith.constant 0 : i32
      %dma_wait3A_90 = tpu.memref_slice %arg17[%mul3A_2, %dma_wait3A_89] : memref<10112x16xf32, #tpu.memory_space<vmem_shared>> -> memref<632x16xf32, #tpu.memory_space<vmem_shared>>
      tpu.wait_dma2 semaphore(%run_scoped3A_81 : memref<!tpu.dma_semaphore, #tpu.memory_space<semaphore_mem>>) src(%dma_wait3A_90 : memref<632x16xf32, #tpu.memory_space<vmem_shared>>) dst(%dma_wait3A_88 : memref<632x16xf32, #tpu.memory_space<hbm>>)
      tpu.yield
    }) : () -> ()
    return
  }
}

#map = affine_map<(d0, d1) -> (0, 0, 0)>
#map1 = affine_map<(d0, d1) -> (0, 0)>
#map2 = affine_map<(d0, d1) -> (0)>
#map3 = affine_map<(d0, d1) -> (0, 0, 0, 0)>
module attributes {stable_mosaic.version = 14 : i64} {
  func.func @_l2_body(%arg0: i32, %arg1: i32, %arg2: memref<2x10112x32xf32, #tpu.memory_space<hbm>>, %arg3: memref<2x10112x16xf32, #tpu.memory_space<hbm>>, %arg4: memref<10112x32xf32, #tpu.memory_space<hbm>>, %arg5: memref<32xf32, #tpu.memory_space<hbm>>, %arg6: memref<2x32x125x80xi32, #tpu.memory_space<hbm>>, %arg7: memref<10112x32xf32, #tpu.memory_space<hbm>>, %arg8: memref<2x10112x32xf32, #tpu.memory_space<hbm>>, %arg9: memref<10112x32xf32, #tpu.memory_space<hbm>>, %arg10: memref<10112x16xf32, #tpu.memory_space<hbm>>, %arg11: memref<125x80xi32, #tpu.memory_space<vmem>>, %arg12: memref<125x80xi32, #tpu.memory_space<vmem>>, %arg13: memref<10x80x32xf32, #tpu.memory_space<vmem>>, %arg14: memref<!tpu.dma_semaphore, #tpu.memory_space<semaphore_mem>>, %arg15: memref<!tpu.dma_semaphore, #tpu.memory_space<semaphore_mem>>, %arg16: memref<!tpu.dma_semaphore, #tpu.memory_space<semaphore_mem>>, %arg17: memref<320x32xf32, #tpu.memory_space<vmem>>, %arg18: memref<320x32xf32, #tpu.memory_space<vmem>>, %arg19: memref<320x16xf32, #tpu.memory_space<vmem>>, %arg20: memref<320x16xf32, #tpu.memory_space<vmem>>, %arg21: memref<320x32xf32, #tpu.memory_space<vmem>>, %arg22: memref<32xf32, #tpu.memory_space<vmem>>, %arg23: memref<10112x32xf32, #tpu.memory_space<vmem_shared>>, %arg24: memref<10112x32xf32, #tpu.memory_space<vmem_shared>>) attributes {dimension_semantics = [#tpu.dimension_semantics<core_parallel>, #tpu.dimension_semantics<subcore_parallel>], iteration_bounds = array<i64: 2, 16>, scalar_prefetch = 0 : i64, scratch_operands = 14 : i64, tpu.core_type = #tpu.core_type<sc_vector_subcore>, window_params = [{transform_indices = #map}, {transform_indices = #map}, {transform_indices = #map1}, {transform_indices = #map2}, {transform_indices = #map3}, {transform_indices = #map1}, {transform_indices = #map}, {transform_indices = #map1}, {transform_indices = #map1}]} {
    %mul3A = arith.constant 2 : i32
    %mul3A_0 = arith.muli %arg1, %mul3A : i32
    %add3A = arith.addi %mul3A_0, %arg0 : i32
    %mul3A_1 = arith.constant 632 : i32
    %mul3A_2 = arith.muli %arg1, %mul3A_1 : i32
    "tpu.region"() ({
      %run_scoped3A_345 = tpu.sem_alloc : memref<!tpu.dma_semaphore, #tpu.memory_space<semaphore_mem>>
      %dma_start3A_346 = arith.constant 0 : i32
      %dma_start3A_347 = tpu.memref_slice %arg24[%mul3A_2, %dma_start3A_346] : memref<10112x32xf32, #tpu.memory_space<vmem_shared>> -> memref<632x32xf32, #tpu.memory_space<vmem_shared>>
      %dma_start3A_348 = arith.constant 0 : i32
      %dma_start3A_349 = tpu.memref_slice %arg7[%mul3A_2, %dma_start3A_348] : memref<10112x32xf32, #tpu.memory_space<hbm>> -> memref<632x32xf32, #tpu.memory_space<hbm>>
      tpu.enqueue_dma source(%dma_start3A_349 : memref<632x32xf32, #tpu.memory_space<hbm>>) target(%dma_start3A_347 : memref<632x32xf32, #tpu.memory_space<vmem_shared>>) target_semaphore(%run_scoped3A_345 : memref<!tpu.dma_semaphore, #tpu.memory_space<semaphore_mem>>)
      %dma_wait3A_350 = arith.constant 0 : i32
      %dma_wait3A_351 = tpu.memref_slice %arg24[%mul3A_2, %dma_wait3A_350] : memref<10112x32xf32, #tpu.memory_space<vmem_shared>> -> memref<632x32xf32, #tpu.memory_space<vmem_shared>>
      %dma_wait3A_352 = arith.constant 0 : i32
      %dma_wait3A_353 = tpu.memref_slice %arg7[%mul3A_2, %dma_wait3A_352] : memref<10112x32xf32, #tpu.memory_space<hbm>> -> memref<632x32xf32, #tpu.memory_space<hbm>>
      tpu.wait_dma2 semaphore(%run_scoped3A_345 : memref<!tpu.dma_semaphore, #tpu.memory_space<semaphore_mem>>) src(%dma_wait3A_353 : memref<632x32xf32, #tpu.memory_space<hbm>>) dst(%dma_wait3A_351 : memref<632x32xf32, #tpu.memory_space<vmem_shared>>)
      tpu.yield
    }) : () -> ()
    %run_scoped3A = arith.constant 0 : i32
    "tpu.region"() ({
      %run_scoped3A_345 = tpu.sem_alloc : memref<!tpu.dma_semaphore, #tpu.memory_space<semaphore_mem>>
      %dma_start3A_346 = arith.constant 0 : i32
      %dma_start3A_347 = arith.constant 0 : i32
      %dma_start3A_348 = tpu.memref_slice %arg6[%run_scoped3A, %add3A, %dma_start3A_346, %dma_start3A_347] : memref<2x32x125x80xi32, #tpu.memory_space<hbm>> -> memref<1x1x125x80xi32, #tpu.memory_space<hbm>>
      %dma_start3A_349 = tpu.memref_squeeze %dma_start3A_348 : memref<1x1x125x80xi32, #tpu.memory_space<hbm>> -> memref<125x80xi32, #tpu.memory_space<hbm>>
      %dma_start3A_350 = arith.constant 0 : i32
      %dma_start3A_351 = arith.constant 0 : i32
      %dma_start3A_352 = tpu.memref_slice %arg6[%run_scoped3A, %add3A, %dma_start3A_350, %dma_start3A_351] : memref<2x32x125x80xi32, #tpu.memory_space<hbm>> -> memref<1x1x125x80xi32, #tpu.memory_space<hbm>>
      %dma_start3A_353 = tpu.memref_squeeze %dma_start3A_352 : memref<1x1x125x80xi32, #tpu.memory_space<hbm>> -> memref<125x80xi32, #tpu.memory_space<hbm>>
      tpu.enqueue_dma source(%dma_start3A_353 : memref<125x80xi32, #tpu.memory_space<hbm>>) target(%arg11 : memref<125x80xi32, #tpu.memory_space<vmem>>) target_semaphore(%run_scoped3A_345 : memref<!tpu.dma_semaphore, #tpu.memory_space<semaphore_mem>>)
      %dma_wait3A_354 = arith.constant 0 : i32
      %dma_wait3A_355 = arith.constant 0 : i32
      %dma_wait3A_356 = tpu.memref_slice %arg6[%run_scoped3A, %add3A, %dma_wait3A_354, %dma_wait3A_355] : memref<2x32x125x80xi32, #tpu.memory_space<hbm>> -> memref<1x1x125x80xi32, #tpu.memory_space<hbm>>
      %dma_wait3A_357 = tpu.memref_squeeze %dma_wait3A_356 : memref<1x1x125x80xi32, #tpu.memory_space<hbm>> -> memref<125x80xi32, #tpu.memory_space<hbm>>
      %dma_wait3A_358 = arith.constant 0 : i32
      %dma_wait3A_359 = arith.constant 0 : i32
      %dma_wait3A_360 = tpu.memref_slice %arg6[%run_scoped3A, %add3A, %dma_wait3A_358, %dma_wait3A_359] : memref<2x32x125x80xi32, #tpu.memory_space<hbm>> -> memref<1x1x125x80xi32, #tpu.memory_space<hbm>>
      %dma_wait3A_361 = tpu.memref_squeeze %dma_wait3A_360 : memref<1x1x125x80xi32, #tpu.memory_space<hbm>> -> memref<125x80xi32, #tpu.memory_space<hbm>>
      tpu.wait_dma2 semaphore(%run_scoped3A_345 : memref<!tpu.dma_semaphore, #tpu.memory_space<semaphore_mem>>) src(%dma_wait3A_361 : memref<125x80xi32, #tpu.memory_space<hbm>>) dst(%arg11 : memref<125x80xi32, #tpu.memory_space<vmem>>)
      tpu.yield
    }) : () -> ()
    %run_scoped3A_3 = arith.constant 1 : i32
    "tpu.region"() ({
      %run_scoped3A_345 = tpu.sem_alloc : memref<!tpu.dma_semaphore, #tpu.memory_space<semaphore_mem>>
      %dma_start3A_346 = arith.constant 0 : i32
      %dma_start3A_347 = arith.constant 0 : i32
      %dma_start3A_348 = tpu.memref_slice %arg6[%run_scoped3A_3, %add3A, %dma_start3A_346, %dma_start3A_347] : memref<2x32x125x80xi32, #tpu.memory_space<hbm>> -> memref<1x1x125x80xi32, #tpu.memory_space<hbm>>
      %dma_start3A_349 = tpu.memref_squeeze %dma_start3A_348 : memref<1x1x125x80xi32, #tpu.memory_space<hbm>> -> memref<125x80xi32, #tpu.memory_space<hbm>>
      %dma_start3A_350 = arith.constant 0 : i32
      %dma_start3A_351 = arith.constant 0 : i32
      %dma_start3A_352 = tpu.memref_slice %arg6[%run_scoped3A_3, %add3A, %dma_start3A_350, %dma_start3A_351] : memref<2x32x125x80xi32, #tpu.memory_space<hbm>> -> memref<1x1x125x80xi32, #tpu.memory_space<hbm>>
      %dma_start3A_353 = tpu.memref_squeeze %dma_start3A_352 : memref<1x1x125x80xi32, #tpu.memory_space<hbm>> -> memref<125x80xi32, #tpu.memory_space<hbm>>
      tpu.enqueue_dma source(%dma_start3A_353 : memref<125x80xi32, #tpu.memory_space<hbm>>) target(%arg12 : memref<125x80xi32, #tpu.memory_space<vmem>>) target_semaphore(%run_scoped3A_345 : memref<!tpu.dma_semaphore, #tpu.memory_space<semaphore_mem>>)
      %dma_wait3A_354 = arith.constant 0 : i32
      %dma_wait3A_355 = arith.constant 0 : i32
      %dma_wait3A_356 = tpu.memref_slice %arg6[%run_scoped3A_3, %add3A, %dma_wait3A_354, %dma_wait3A_355] : memref<2x32x125x80xi32, #tpu.memory_space<hbm>> -> memref<1x1x125x80xi32, #tpu.memory_space<hbm>>
      %dma_wait3A_357 = tpu.memref_squeeze %dma_wait3A_356 : memref<1x1x125x80xi32, #tpu.memory_space<hbm>> -> memref<125x80xi32, #tpu.memory_space<hbm>>
      %dma_wait3A_358 = arith.constant 0 : i32
      %dma_wait3A_359 = arith.constant 0 : i32
      %dma_wait3A_360 = tpu.memref_slice %arg6[%run_scoped3A_3, %add3A, %dma_wait3A_358, %dma_wait3A_359] : memref<2x32x125x80xi32, #tpu.memory_space<hbm>> -> memref<1x1x125x80xi32, #tpu.memory_space<hbm>>
      %dma_wait3A_361 = tpu.memref_squeeze %dma_wait3A_360 : memref<1x1x125x80xi32, #tpu.memory_space<hbm>> -> memref<125x80xi32, #tpu.memory_space<hbm>>
      tpu.wait_dma2 semaphore(%run_scoped3A_345 : memref<!tpu.dma_semaphore, #tpu.memory_space<semaphore_mem>>) src(%dma_wait3A_361 : memref<125x80xi32, #tpu.memory_space<hbm>>) dst(%arg12 : memref<125x80xi32, #tpu.memory_space<vmem>>)
      tpu.yield
    }) : () -> ()
    "tpu.region"() ({
      %run_scoped3A_345 = tpu.sem_alloc : memref<!tpu.dma_semaphore, #tpu.memory_space<semaphore_mem>>
      tpu.enqueue_dma source(%arg5 : memref<32xf32, #tpu.memory_space<hbm>>) target(%arg22 : memref<32xf32, #tpu.memory_space<vmem>>) target_semaphore(%run_scoped3A_345 : memref<!tpu.dma_semaphore, #tpu.memory_space<semaphore_mem>>)
      tpu.wait_dma2 semaphore(%run_scoped3A_345 : memref<!tpu.dma_semaphore, #tpu.memory_space<semaphore_mem>>) src(%arg5 : memref<32xf32, #tpu.memory_space<hbm>>) dst(%arg22 : memref<32xf32, #tpu.memory_space<vmem>>)
      tpu.yield
    }) : () -> ()
    %add3A_4 = arith.constant 0 : i32
    %add3A_5 = arith.addi %mul3A_2, %add3A_4 : i32
    %dma_start3A = arith.constant 0 : i32
    %dma_start3A_6 = arith.constant 0 : i32
    %dma_start3A_7 = arith.constant 0 : i32
    %dma_start3A_8 = tpu.memref_slice %arg17[%dma_start3A_6, %dma_start3A_7] : memref<320x32xf32, #tpu.memory_space<vmem>> -> memref<320x32xf32, #tpu.memory_space<vmem>>
    %dma_start3A_9 = arith.constant 0 : i32
    %dma_start3A_10 = tpu.memref_slice %arg2[%dma_start3A, %add3A_5, %dma_start3A_9] : memref<2x10112x32xf32, #tpu.memory_space<hbm>> -> memref<1x320x32xf32, #tpu.memory_space<hbm>>
    %dma_start3A_11 = tpu.memref_squeeze %dma_start3A_10 : memref<1x320x32xf32, #tpu.memory_space<hbm>> -> memref<320x32xf32, #tpu.memory_space<hbm>>
    %dma_start3A_12 = arith.constant 0 : i32
    %dma_start3A_13 = arith.constant 0 : i32
    %dma_start3A_14 = tpu.memref_slice %arg17[%dma_start3A_12, %dma_start3A_13] : memref<320x32xf32, #tpu.memory_space<vmem>> -> memref<320x32xf32, #tpu.memory_space<vmem>>
    %dma_start3A_15 = arith.constant 0 : i32
    %dma_start3A_16 = tpu.memref_slice %arg2[%dma_start3A, %add3A_5, %dma_start3A_15] : memref<2x10112x32xf32, #tpu.memory_space<hbm>> -> memref<1x320x32xf32, #tpu.memory_space<hbm>>
    %dma_start3A_17 = tpu.memref_squeeze %dma_start3A_16 : memref<1x320x32xf32, #tpu.memory_space<hbm>> -> memref<320x32xf32, #tpu.memory_space<hbm>>
    tpu.enqueue_dma source(%dma_start3A_17 : memref<320x32xf32, #tpu.memory_space<hbm>>) target(%dma_start3A_14 : memref<320x32xf32, #tpu.memory_space<vmem>>) target_semaphore(%arg15 : memref<!tpu.dma_semaphore, #tpu.memory_space<semaphore_mem>>)
    %dma_start3A_18 = arith.constant 1 : i32
    %dma_start3A_19 = arith.constant 0 : i32
    %dma_start3A_20 = arith.constant 0 : i32
    %dma_start3A_21 = tpu.memref_slice %arg18[%dma_start3A_19, %dma_start3A_20] : memref<320x32xf32, #tpu.memory_space<vmem>> -> memref<320x32xf32, #tpu.memory_space<vmem>>
    %dma_start3A_22 = arith.constant 0 : i32
    %dma_start3A_23 = tpu.memref_slice %arg2[%dma_start3A_18, %add3A_5, %dma_start3A_22] : memref<2x10112x32xf32, #tpu.memory_space<hbm>> -> memref<1x320x32xf32, #tpu.memory_space<hbm>>
    %dma_start3A_24 = tpu.memref_squeeze %dma_start3A_23 : memref<1x320x32xf32, #tpu.memory_space<hbm>> -> memref<320x32xf32, #tpu.memory_space<hbm>>
    %dma_start3A_25 = arith.constant 0 : i32
    %dma_start3A_26 = arith.constant 0 : i32
    %dma_start3A_27 = tpu.memref_slice %arg18[%dma_start3A_25, %dma_start3A_26] : memref<320x32xf32, #tpu.memory_space<vmem>> -> memref<320x32xf32, #tpu.memory_space<vmem>>
    %dma_start3A_28 = arith.constant 0 : i32
    %dma_start3A_29 = tpu.memref_slice %arg2[%dma_start3A_18, %add3A_5, %dma_start3A_28] : memref<2x10112x32xf32, #tpu.memory_space<hbm>> -> memref<1x320x32xf32, #tpu.memory_space<hbm>>
    %dma_start3A_30 = tpu.memref_squeeze %dma_start3A_29 : memref<1x320x32xf32, #tpu.memory_space<hbm>> -> memref<320x32xf32, #tpu.memory_space<hbm>>
    tpu.enqueue_dma source(%dma_start3A_30 : memref<320x32xf32, #tpu.memory_space<hbm>>) target(%dma_start3A_27 : memref<320x32xf32, #tpu.memory_space<vmem>>) target_semaphore(%arg15 : memref<!tpu.dma_semaphore, #tpu.memory_space<semaphore_mem>>)
    %dma_start3A_31 = arith.constant 0 : i32
    %dma_start3A_32 = arith.constant 0 : i32
    %dma_start3A_33 = arith.constant 0 : i32
    %dma_start3A_34 = tpu.memref_slice %arg19[%dma_start3A_32, %dma_start3A_33] : memref<320x16xf32, #tpu.memory_space<vmem>> -> memref<320x16xf32, #tpu.memory_space<vmem>>
    %dma_start3A_35 = arith.constant 0 : i32
    %dma_start3A_36 = tpu.memref_slice %arg3[%dma_start3A_31, %add3A_5, %dma_start3A_35] : memref<2x10112x16xf32, #tpu.memory_space<hbm>> -> memref<1x320x16xf32, #tpu.memory_space<hbm>>
    %dma_start3A_37 = tpu.memref_squeeze %dma_start3A_36 : memref<1x320x16xf32, #tpu.memory_space<hbm>> -> memref<320x16xf32, #tpu.memory_space<hbm>>
    %dma_start3A_38 = arith.constant 0 : i32
    %dma_start3A_39 = arith.constant 0 : i32
    %dma_start3A_40 = tpu.memref_slice %arg19[%dma_start3A_38, %dma_start3A_39] : memref<320x16xf32, #tpu.memory_space<vmem>> -> memref<320x16xf32, #tpu.memory_space<vmem>>
    %dma_start3A_41 = arith.constant 0 : i32
    %dma_start3A_42 = tpu.memref_slice %arg3[%dma_start3A_31, %add3A_5, %dma_start3A_41] : memref<2x10112x16xf32, #tpu.memory_space<hbm>> -> memref<1x320x16xf32, #tpu.memory_space<hbm>>
    %dma_start3A_43 = tpu.memref_squeeze %dma_start3A_42 : memref<1x320x16xf32, #tpu.memory_space<hbm>> -> memref<320x16xf32, #tpu.memory_space<hbm>>
    tpu.enqueue_dma source(%dma_start3A_43 : memref<320x16xf32, #tpu.memory_space<hbm>>) target(%dma_start3A_40 : memref<320x16xf32, #tpu.memory_space<vmem>>) target_semaphore(%arg15 : memref<!tpu.dma_semaphore, #tpu.memory_space<semaphore_mem>>)
    %dma_start3A_44 = arith.constant 1 : i32
    %dma_start3A_45 = arith.constant 0 : i32
    %dma_start3A_46 = arith.constant 0 : i32
    %dma_start3A_47 = tpu.memref_slice %arg20[%dma_start3A_45, %dma_start3A_46] : memref<320x16xf32, #tpu.memory_space<vmem>> -> memref<320x16xf32, #tpu.memory_space<vmem>>
    %dma_start3A_48 = arith.constant 0 : i32
    %dma_start3A_49 = tpu.memref_slice %arg3[%dma_start3A_44, %add3A_5, %dma_start3A_48] : memref<2x10112x16xf32, #tpu.memory_space<hbm>> -> memref<1x320x16xf32, #tpu.memory_space<hbm>>
    %dma_start3A_50 = tpu.memref_squeeze %dma_start3A_49 : memref<1x320x16xf32, #tpu.memory_space<hbm>> -> memref<320x16xf32, #tpu.memory_space<hbm>>
    %dma_start3A_51 = arith.constant 0 : i32
    %dma_start3A_52 = arith.constant 0 : i32
    %dma_start3A_53 = tpu.memref_slice %arg20[%dma_start3A_51, %dma_start3A_52] : memref<320x16xf32, #tpu.memory_space<vmem>> -> memref<320x16xf32, #tpu.memory_space<vmem>>
    %dma_start3A_54 = arith.constant 0 : i32
    %dma_start3A_55 = tpu.memref_slice %arg3[%dma_start3A_44, %add3A_5, %dma_start3A_54] : memref<2x10112x16xf32, #tpu.memory_space<hbm>> -> memref<1x320x16xf32, #tpu.memory_space<hbm>>
    %dma_start3A_56 = tpu.memref_squeeze %dma_start3A_55 : memref<1x320x16xf32, #tpu.memory_space<hbm>> -> memref<320x16xf32, #tpu.memory_space<hbm>>
    tpu.enqueue_dma source(%dma_start3A_56 : memref<320x16xf32, #tpu.memory_space<hbm>>) target(%dma_start3A_53 : memref<320x16xf32, #tpu.memory_space<vmem>>) target_semaphore(%arg15 : memref<!tpu.dma_semaphore, #tpu.memory_space<semaphore_mem>>)
    %dma_start3A_57 = arith.constant 0 : i32
    %dma_start3A_58 = arith.constant 0 : i32
    %dma_start3A_59 = tpu.memref_slice %arg21[%dma_start3A_57, %dma_start3A_58] : memref<320x32xf32, #tpu.memory_space<vmem>> -> memref<320x32xf32, #tpu.memory_space<vmem>>
    %dma_start3A_60 = arith.constant 0 : i32
    %dma_start3A_61 = tpu.memref_slice %arg4[%add3A_5, %dma_start3A_60] : memref<10112x32xf32, #tpu.memory_space<hbm>> -> memref<320x32xf32, #tpu.memory_space<hbm>>
    %dma_start3A_62 = arith.constant 0 : i32
    %dma_start3A_63 = arith.constant 0 : i32
    %dma_start3A_64 = tpu.memref_slice %arg21[%dma_start3A_62, %dma_start3A_63] : memref<320x32xf32, #tpu.memory_space<vmem>> -> memref<320x32xf32, #tpu.memory_space<vmem>>
    %dma_start3A_65 = arith.constant 0 : i32
    %dma_start3A_66 = tpu.memref_slice %arg4[%add3A_5, %dma_start3A_65] : memref<10112x32xf32, #tpu.memory_space<hbm>> -> memref<320x32xf32, #tpu.memory_space<hbm>>
    tpu.enqueue_dma source(%dma_start3A_66 : memref<320x32xf32, #tpu.memory_space<hbm>>) target(%dma_start3A_64 : memref<320x32xf32, #tpu.memory_space<vmem>>) target_semaphore(%arg15 : memref<!tpu.dma_semaphore, #tpu.memory_space<semaphore_mem>>)
    %dma_wait3A = arith.constant 0 : i32
    %dma_wait3A_67 = arith.constant 0 : i32
    %dma_wait3A_68 = arith.constant 0 : i32
    %dma_wait3A_69 = tpu.memref_slice %arg17[%dma_wait3A_67, %dma_wait3A_68] : memref<320x32xf32, #tpu.memory_space<vmem>> -> memref<320x32xf32, #tpu.memory_space<vmem>>
    %dma_wait3A_70 = arith.constant 0 : i32
    %dma_wait3A_71 = tpu.memref_slice %arg2[%dma_wait3A, %add3A_5, %dma_wait3A_70] : memref<2x10112x32xf32, #tpu.memory_space<hbm>> -> memref<1x320x32xf32, #tpu.memory_space<hbm>>
    %dma_wait3A_72 = tpu.memref_squeeze %dma_wait3A_71 : memref<1x320x32xf32, #tpu.memory_space<hbm>> -> memref<320x32xf32, #tpu.memory_space<hbm>>
    %dma_wait3A_73 = arith.constant 0 : i32
    %dma_wait3A_74 = arith.constant 0 : i32
    %dma_wait3A_75 = tpu.memref_slice %arg17[%dma_wait3A_73, %dma_wait3A_74] : memref<320x32xf32, #tpu.memory_space<vmem>> -> memref<320x32xf32, #tpu.memory_space<vmem>>
    %dma_wait3A_76 = arith.constant 0 : i32
    %dma_wait3A_77 = tpu.memref_slice %arg2[%dma_wait3A, %add3A_5, %dma_wait3A_76] : memref<2x10112x32xf32, #tpu.memory_space<hbm>> -> memref<1x320x32xf32, #tpu.memory_space<hbm>>
    %dma_wait3A_78 = tpu.memref_squeeze %dma_wait3A_77 : memref<1x320x32xf32, #tpu.memory_space<hbm>> -> memref<320x32xf32, #tpu.memory_space<hbm>>
    tpu.wait_dma2 semaphore(%arg15 : memref<!tpu.dma_semaphore, #tpu.memory_space<semaphore_mem>>) src(%dma_wait3A_78 : memref<320x32xf32, #tpu.memory_space<hbm>>) dst(%dma_wait3A_75 : memref<320x32xf32, #tpu.memory_space<vmem>>)
    %dma_wait3A_79 = arith.constant 0 : i32
    %dma_wait3A_80 = arith.constant 0 : i32
    %dma_wait3A_81 = arith.constant 0 : i32
    %dma_wait3A_82 = tpu.memref_slice %arg17[%dma_wait3A_80, %dma_wait3A_81] : memref<320x32xf32, #tpu.memory_space<vmem>> -> memref<320x32xf32, #tpu.memory_space<vmem>>
    %dma_wait3A_83 = arith.constant 0 : i32
    %dma_wait3A_84 = tpu.memref_slice %arg2[%dma_wait3A_79, %add3A_5, %dma_wait3A_83] : memref<2x10112x32xf32, #tpu.memory_space<hbm>> -> memref<1x320x32xf32, #tpu.memory_space<hbm>>
    %dma_wait3A_85 = tpu.memref_squeeze %dma_wait3A_84 : memref<1x320x32xf32, #tpu.memory_space<hbm>> -> memref<320x32xf32, #tpu.memory_space<hbm>>
    %dma_wait3A_86 = arith.constant 0 : i32
    %dma_wait3A_87 = arith.constant 0 : i32
    %dma_wait3A_88 = tpu.memref_slice %arg17[%dma_wait3A_86, %dma_wait3A_87] : memref<320x32xf32, #tpu.memory_space<vmem>> -> memref<320x32xf32, #tpu.memory_space<vmem>>
    %dma_wait3A_89 = arith.constant 0 : i32
    %dma_wait3A_90 = tpu.memref_slice %arg2[%dma_wait3A_79, %add3A_5, %dma_wait3A_89] : memref<2x10112x32xf32, #tpu.memory_space<hbm>> -> memref<1x320x32xf32, #tpu.memory_space<hbm>>
    %dma_wait3A_91 = tpu.memref_squeeze %dma_wait3A_90 : memref<1x320x32xf32, #tpu.memory_space<hbm>> -> memref<320x32xf32, #tpu.memory_space<hbm>>
    tpu.wait_dma2 semaphore(%arg15 : memref<!tpu.dma_semaphore, #tpu.memory_space<semaphore_mem>>) src(%dma_wait3A_91 : memref<320x32xf32, #tpu.memory_space<hbm>>) dst(%dma_wait3A_88 : memref<320x32xf32, #tpu.memory_space<vmem>>)
    %dma_wait3A_92 = arith.constant 0 : i32
    %dma_wait3A_93 = arith.constant 0 : i32
    %dma_wait3A_94 = arith.constant 0 : i32
    %dma_wait3A_95 = tpu.memref_slice %arg19[%dma_wait3A_93, %dma_wait3A_94] : memref<320x16xf32, #tpu.memory_space<vmem>> -> memref<320x16xf32, #tpu.memory_space<vmem>>
    %dma_wait3A_96 = arith.constant 0 : i32
    %dma_wait3A_97 = tpu.memref_slice %arg3[%dma_wait3A_92, %add3A_5, %dma_wait3A_96] : memref<2x10112x16xf32, #tpu.memory_space<hbm>> -> memref<1x320x16xf32, #tpu.memory_space<hbm>>
    %dma_wait3A_98 = tpu.memref_squeeze %dma_wait3A_97 : memref<1x320x16xf32, #tpu.memory_space<hbm>> -> memref<320x16xf32, #tpu.memory_space<hbm>>
    %dma_wait3A_99 = arith.constant 0 : i32
    %dma_wait3A_100 = arith.constant 0 : i32
    %dma_wait3A_101 = tpu.memref_slice %arg19[%dma_wait3A_99, %dma_wait3A_100] : memref<320x16xf32, #tpu.memory_space<vmem>> -> memref<320x16xf32, #tpu.memory_space<vmem>>
    %dma_wait3A_102 = arith.constant 0 : i32
    %dma_wait3A_103 = tpu.memref_slice %arg3[%dma_wait3A_92, %add3A_5, %dma_wait3A_102] : memref<2x10112x16xf32, #tpu.memory_space<hbm>> -> memref<1x320x16xf32, #tpu.memory_space<hbm>>
    %dma_wait3A_104 = tpu.memref_squeeze %dma_wait3A_103 : memref<1x320x16xf32, #tpu.memory_space<hbm>> -> memref<320x16xf32, #tpu.memory_space<hbm>>
    tpu.wait_dma2 semaphore(%arg15 : memref<!tpu.dma_semaphore, #tpu.memory_space<semaphore_mem>>) src(%dma_wait3A_104 : memref<320x16xf32, #tpu.memory_space<hbm>>) dst(%dma_wait3A_101 : memref<320x16xf32, #tpu.memory_space<vmem>>)
    %dma_wait3A_105 = arith.constant 0 : i32
    %dma_wait3A_106 = arith.constant 0 : i32
    %dma_wait3A_107 = arith.constant 0 : i32
    %dma_wait3A_108 = tpu.memref_slice %arg19[%dma_wait3A_106, %dma_wait3A_107] : memref<320x16xf32, #tpu.memory_space<vmem>> -> memref<320x16xf32, #tpu.memory_space<vmem>>
    %dma_wait3A_109 = arith.constant 0 : i32
    %dma_wait3A_110 = tpu.memref_slice %arg3[%dma_wait3A_105, %add3A_5, %dma_wait3A_109] : memref<2x10112x16xf32, #tpu.memory_space<hbm>> -> memref<1x320x16xf32, #tpu.memory_space<hbm>>
    %dma_wait3A_111 = tpu.memref_squeeze %dma_wait3A_110 : memref<1x320x16xf32, #tpu.memory_space<hbm>> -> memref<320x16xf32, #tpu.memory_space<hbm>>
    %dma_wait3A_112 = arith.constant 0 : i32
    %dma_wait3A_113 = arith.constant 0 : i32
    %dma_wait3A_114 = tpu.memref_slice %arg19[%dma_wait3A_112, %dma_wait3A_113] : memref<320x16xf32, #tpu.memory_space<vmem>> -> memref<320x16xf32, #tpu.memory_space<vmem>>
    %dma_wait3A_115 = arith.constant 0 : i32
    %dma_wait3A_116 = tpu.memref_slice %arg3[%dma_wait3A_105, %add3A_5, %dma_wait3A_115] : memref<2x10112x16xf32, #tpu.memory_space<hbm>> -> memref<1x320x16xf32, #tpu.memory_space<hbm>>
    %dma_wait3A_117 = tpu.memref_squeeze %dma_wait3A_116 : memref<1x320x16xf32, #tpu.memory_space<hbm>> -> memref<320x16xf32, #tpu.memory_space<hbm>>
    tpu.wait_dma2 semaphore(%arg15 : memref<!tpu.dma_semaphore, #tpu.memory_space<semaphore_mem>>) src(%dma_wait3A_117 : memref<320x16xf32, #tpu.memory_space<hbm>>) dst(%dma_wait3A_114 : memref<320x16xf32, #tpu.memory_space<vmem>>)
    %dma_wait3A_118 = arith.constant 0 : i32
    %dma_wait3A_119 = arith.constant 0 : i32
    %dma_wait3A_120 = tpu.memref_slice %arg21[%dma_wait3A_118, %dma_wait3A_119] : memref<320x32xf32, #tpu.memory_space<vmem>> -> memref<320x32xf32, #tpu.memory_space<vmem>>
    %dma_wait3A_121 = arith.constant 0 : i32
    %dma_wait3A_122 = tpu.memref_slice %arg4[%add3A_5, %dma_wait3A_121] : memref<10112x32xf32, #tpu.memory_space<hbm>> -> memref<320x32xf32, #tpu.memory_space<hbm>>
    %dma_wait3A_123 = arith.constant 0 : i32
    %dma_wait3A_124 = arith.constant 0 : i32
    %dma_wait3A_125 = tpu.memref_slice %arg21[%dma_wait3A_123, %dma_wait3A_124] : memref<320x32xf32, #tpu.memory_space<vmem>> -> memref<320x32xf32, #tpu.memory_space<vmem>>
    %dma_wait3A_126 = arith.constant 0 : i32
    %dma_wait3A_127 = tpu.memref_slice %arg4[%add3A_5, %dma_wait3A_126] : memref<10112x32xf32, #tpu.memory_space<hbm>> -> memref<320x32xf32, #tpu.memory_space<hbm>>
    tpu.wait_dma2 semaphore(%arg15 : memref<!tpu.dma_semaphore, #tpu.memory_space<semaphore_mem>>) src(%dma_wait3A_127 : memref<320x32xf32, #tpu.memory_space<hbm>>) dst(%dma_wait3A_125 : memref<320x32xf32, #tpu.memory_space<vmem>>)
    %scan3A = arith.constant 0 : i32
    %scan3A_128 = arith.constant 0 : i32
    %scan3A_129 = arith.constant 320 : i32
    %scan3A_130 = arith.addi %scan3A_128, %scan3A_129 : i32
    %scan3A_131 = arith.constant 1 : i32
    scf.for %scan3A_345 = %scan3A_128 to %scan3A_130 step %scan3A_131  : i32 {
      %get3A = arith.index_cast %scan3A_345 : i32 to index
      %get3A_346 = arith.constant 0 : index
      %get3A_347 = tpu.vector_load %arg19[%get3A, %get3A_346] {strides = array<i32>} : memref<320x16xf32, #tpu.memory_space<vmem>>, vector<1x16xf32>,
      %get3A_348 = vector.shape_cast %get3A_347 : vector<1x16xf32> to vector<16xf32>
      %get3A_349 = arith.index_cast %scan3A_345 : i32 to index
      %get3A_350 = arith.constant 0 : index
      %get3A_351 = tpu.vector_load %arg20[%get3A_349, %get3A_350] {strides = array<i32>} : memref<320x16xf32, #tpu.memory_space<vmem>>, vector<1x16xf32>,
      %get3A_352 = vector.shape_cast %get3A_351 : vector<1x16xf32> to vector<16xf32>
      %add3A_353 = arith.addf %get3A_348, %get3A_352 : vector<16xf32>
      %max3A = arith.constant 1.000000e+00 : f32
      %max3A_354 = vector.broadcast %max3A : f32 to vector<16xf32>
      %max3A_355 = arith.maximumf %add3A_353, %max3A_354 : vector<16xf32>
      %div3A = arith.constant 1.000000e+00 : f32
      %div3A_356 = vector.broadcast %div3A : f32 to vector<16xf32>
      %div3A_357 = arith.divf %div3A_356, %max3A_355 : vector<16xf32>
      %swap3A = arith.index_cast %scan3A_345 : i32 to index
      %swap3A_358 = arith.constant 0 : index
      %swap3A_359 = tpu.vector_load %arg19[%swap3A, %swap3A_358] {strides = array<i32>} : memref<320x16xf32, #tpu.memory_space<vmem>>, vector<1x16xf32>,
      %swap3A_360 = vector.shape_cast %swap3A_359 : vector<1x16xf32> to vector<16xf32>
      %swap3A_361 = vector.shape_cast %div3A_357 : vector<16xf32> to vector<1x16xf32>
      tpu.vector_store %arg19[%swap3A, %swap3A_358], %swap3A_361 {strides = array<i32>} : memref<320x16xf32, #tpu.memory_space<vmem>>, vector<1x16xf32>,
      %get3A_362 = arith.index_cast %scan3A_345 : i32 to index
      %get3A_363 = arith.constant 0 : index
      %get3A_364 = tpu.vector_load %arg17[%get3A_362, %get3A_363] {strides = array<i32>} : memref<320x32xf32, #tpu.memory_space<vmem>>, vector<1x16xf32>,
      %get3A_365 = vector.shape_cast %get3A_364 : vector<1x16xf32> to vector<16xf32>
      %get3A_366 = arith.index_cast %scan3A_345 : i32 to index
      %get3A_367 = arith.constant 0 : index
      %get3A_368 = tpu.vector_load %arg18[%get3A_366, %get3A_367] {strides = array<i32>} : memref<320x32xf32, #tpu.memory_space<vmem>>, vector<1x16xf32>,
      %get3A_369 = vector.shape_cast %get3A_368 : vector<1x16xf32> to vector<16xf32>
      %add3A_370 = arith.addf %get3A_365, %get3A_369 : vector<16xf32>
      %mul3A_371 = arith.mulf %add3A_370, %div3A_357 : vector<16xf32>
      %get3A_372 = arith.constant 0 : index
      %get3A_373 = tpu.vector_load %arg22[%get3A_372] {strides = array<i32>} : memref<32xf32, #tpu.memory_space<vmem>>, vector<16xf32>,
      %get3A_374 = vector.shape_cast %get3A_373 : vector<16xf32> to vector<16xf32>
      %add3A_375 = arith.addf %mul3A_371, %get3A_374 : vector<16xf32>
      %get3A_376 = arith.index_cast %scan3A_345 : i32 to index
      %get3A_377 = arith.constant 0 : index
      %get3A_378 = tpu.vector_load %arg21[%get3A_376, %get3A_377] {strides = array<i32>} : memref<320x32xf32, #tpu.memory_space<vmem>>, vector<1x16xf32>,
      %get3A_379 = vector.shape_cast %get3A_378 : vector<1x16xf32> to vector<16xf32>
      %add3A_380 = arith.addf %add3A_375, %get3A_379 : vector<16xf32>
      %max3A_381 = arith.constant 0.000000e+00 : f32
      %max3A_382 = vector.broadcast %max3A_381 : f32 to vector<16xf32>
      %max3A_383 = arith.maximumf %add3A_380, %max3A_382 : vector<16xf32>
      %swap3A_384 = arith.index_cast %scan3A_345 : i32 to index
      %swap3A_385 = arith.constant 0 : index
      %swap3A_386 = tpu.vector_load %arg21[%swap3A_384, %swap3A_385] {strides = array<i32>} : memref<320x32xf32, #tpu.memory_space<vmem>>, vector<1x16xf32>,
      %swap3A_387 = vector.shape_cast %swap3A_386 : vector<1x16xf32> to vector<16xf32>
      %swap3A_388 = vector.shape_cast %max3A_383 : vector<16xf32> to vector<1x16xf32>
      tpu.vector_store %arg21[%swap3A_384, %swap3A_385], %swap3A_388 {strides = array<i32>} : memref<320x32xf32, #tpu.memory_space<vmem>>, vector<1x16xf32>,
      %get3A_389 = arith.index_cast %scan3A_345 : i32 to index
      %get3A_390 = arith.constant 16 : index
      %get3A_391 = tpu.vector_load %arg17[%get3A_389, %get3A_390] {strides = array<i32>} : memref<320x32xf32, #tpu.memory_space<vmem>>, vector<1x16xf32>,
      %get3A_392 = vector.shape_cast %get3A_391 : vector<1x16xf32> to vector<16xf32>
      %get3A_393 = arith.index_cast %scan3A_345 : i32 to index
      %get3A_394 = arith.constant 16 : index
      %get3A_395 = tpu.vector_load %arg18[%get3A_393, %get3A_394] {strides = array<i32>} : memref<320x32xf32, #tpu.memory_space<vmem>>, vector<1x16xf32>,
      %get3A_396 = vector.shape_cast %get3A_395 : vector<1x16xf32> to vector<16xf32>
      %add3A_397 = arith.addf %get3A_392, %get3A_396 : vector<16xf32>
      %mul3A_398 = arith.mulf %add3A_397, %div3A_357 : vector<16xf32>
      %get3A_399 = arith.constant 16 : index
      %get3A_400 = tpu.vector_load %arg22[%get3A_399] {strides = array<i32>} : memref<32xf32, #tpu.memory_space<vmem>>, vector<16xf32>,
      %get3A_401 = vector.shape_cast %get3A_400 : vector<16xf32> to vector<16xf32>
      %add3A_402 = arith.addf %mul3A_398, %get3A_401 : vector<16xf32>
      %get3A_403 = arith.index_cast %scan3A_345 : i32 to index
      %get3A_404 = arith.constant 16 : index
      %get3A_405 = tpu.vector_load %arg21[%get3A_403, %get3A_404] {strides = array<i32>} : memref<320x32xf32, #tpu.memory_space<vmem>>, vector<1x16xf32>,
      %get3A_406 = vector.shape_cast %get3A_405 : vector<1x16xf32> to vector<16xf32>
      %add3A_407 = arith.addf %add3A_402, %get3A_406 : vector<16xf32>
      %max3A_408 = arith.constant 0.000000e+00 : f32
      %max3A_409 = vector.broadcast %max3A_408 : f32 to vector<16xf32>
      %max3A_410 = arith.maximumf %add3A_407, %max3A_409 : vector<16xf32>
      %swap3A_411 = arith.index_cast %scan3A_345 : i32 to index
      %swap3A_412 = arith.constant 16 : index
      %swap3A_413 = tpu.vector_load %arg21[%swap3A_411, %swap3A_412] {strides = array<i32>} : memref<320x32xf32, #tpu.memory_space<vmem>>, vector<1x16xf32>,
      %swap3A_414 = vector.shape_cast %swap3A_413 : vector<1x16xf32> to vector<16xf32>
      %swap3A_415 = vector.shape_cast %max3A_410 : vector<16xf32> to vector<1x16xf32>
      tpu.vector_store %arg21[%swap3A_411, %swap3A_412], %swap3A_415 {strides = array<i32>} : memref<320x32xf32, #tpu.memory_space<vmem>>, vector<1x16xf32>,
    }
    %scan3A_132 = arith.constant 320 : i32
    "tpu.region"() ({
      %run_scoped3A_345 = tpu.sem_alloc : memref<!tpu.dma_semaphore, #tpu.memory_space<semaphore_mem>>
      %dma_start3A_346 = arith.constant 0 : i32
      %dma_start3A_347 = arith.constant 0 : i32
      %dma_start3A_348 = tpu.memref_slice %arg21[%dma_start3A_346, %dma_start3A_347] : memref<320x32xf32, #tpu.memory_space<vmem>> -> memref<320x32xf32, #tpu.memory_space<vmem>>
      %dma_start3A_349 = arith.constant 0 : i32
      %dma_start3A_350 = tpu.memref_slice %arg23[%add3A_5, %dma_start3A_349] : memref<10112x32xf32, #tpu.memory_space<vmem_shared>> -> memref<320x32xf32, #tpu.memory_space<vmem_shared>>
      %dma_start3A_351 = arith.constant 0 : i32
      %dma_start3A_352 = tpu.memref_slice %arg23[%add3A_5, %dma_start3A_351] : memref<10112x32xf32, #tpu.memory_space<vmem_shared>> -> memref<320x32xf32, #tpu.memory_space<vmem_shared>>
      %dma_start3A_353 = arith.constant 0 : i32
      %dma_start3A_354 = arith.constant 0 : i32
      %dma_start3A_355 = tpu.memref_slice %arg21[%dma_start3A_353, %dma_start3A_354] : memref<320x32xf32, #tpu.memory_space<vmem>> -> memref<320x32xf32, #tpu.memory_space<vmem>>
      tpu.enqueue_dma source(%dma_start3A_355 : memref<320x32xf32, #tpu.memory_space<vmem>>) target(%dma_start3A_352 : memref<320x32xf32, #tpu.memory_space<vmem_shared>>) target_semaphore(%run_scoped3A_345 : memref<!tpu.dma_semaphore, #tpu.memory_space<semaphore_mem>>)
      %dma_wait3A_356 = arith.constant 0 : i32
      %dma_wait3A_357 = arith.constant 0 : i32
      %dma_wait3A_358 = tpu.memref_slice %arg21[%dma_wait3A_356, %dma_wait3A_357] : memref<320x32xf32, #tpu.memory_space<vmem>> -> memref<320x32xf32, #tpu.memory_space<vmem>>
      %dma_wait3A_359 = arith.constant 0 : i32
      %dma_wait3A_360 = tpu.memref_slice %arg23[%add3A_5, %dma_wait3A_359] : memref<10112x32xf32, #tpu.memory_space<vmem_shared>> -> memref<320x32xf32, #tpu.memory_space<vmem_shared>>
      %dma_wait3A_361 = arith.constant 0 : i32
      %dma_wait3A_362 = tpu.memref_slice %arg23[%add3A_5, %dma_wait3A_361] : memref<10112x32xf32, #tpu.memory_space<vmem_shared>> -> memref<320x32xf32, #tpu.memory_space<vmem_shared>>
      %dma_wait3A_363 = arith.constant 0 : i32
      %dma_wait3A_364 = arith.constant 0 : i32
      %dma_wait3A_365 = tpu.memref_slice %arg21[%dma_wait3A_363, %dma_wait3A_364] : memref<320x32xf32, #tpu.memory_space<vmem>> -> memref<320x32xf32, #tpu.memory_space<vmem>>
      tpu.wait_dma2 semaphore(%run_scoped3A_345 : memref<!tpu.dma_semaphore, #tpu.memory_space<semaphore_mem>>) src(%dma_wait3A_365 : memref<320x32xf32, #tpu.memory_space<vmem>>) dst(%dma_wait3A_362 : memref<320x32xf32, #tpu.memory_space<vmem_shared>>)
      tpu.yield
    }) : () -> ()
    %eq3A = arith.constant 0 : i32
    %eq3A_133 = arith.cmpi eq, %arg0, %eq3A : i32
    %convert_element_type3A = arith.extui %eq3A_133 : i1 to i32
    %cond3A = arith.constant 0 : i32
    %cond3A_134 = arith.cmpi ne, %convert_element_type3A, %cond3A : i32
    scf.if %cond3A_134 {
      "tpu.region"() ({
        %run_scoped3A_345 = tpu.sem_alloc : memref<!tpu.dma_semaphore, #tpu.memory_space<semaphore_mem>>
        %dma_start3A_346 = arith.constant 0 : i32
        %dma_start3A_347 = arith.constant 0 : i32
        %dma_start3A_348 = tpu.memref_slice %arg21[%dma_start3A_346, %dma_start3A_347] : memref<320x32xf32, #tpu.memory_space<vmem>> -> memref<320x32xf32, #tpu.memory_space<vmem>>
        %dma_start3A_349 = arith.constant 0 : i32
        %dma_start3A_350 = tpu.memref_slice %arg9[%add3A_5, %dma_start3A_349] : memref<10112x32xf32, #tpu.memory_space<hbm>> -> memref<320x32xf32, #tpu.memory_space<hbm>>
        %dma_start3A_351 = arith.constant 0 : i32
        %dma_start3A_352 = tpu.memref_slice %arg9[%add3A_5, %dma_start3A_351] : memref<10112x32xf32, #tpu.memory_space<hbm>> -> memref<320x32xf32, #tpu.memory_space<hbm>>
        %dma_start3A_353 = arith.constant 0 : i32
        %dma_start3A_354 = arith.constant 0 : i32
        %dma_start3A_355 = tpu.memref_slice %arg21[%dma_start3A_353, %dma_start3A_354] : memref<320x32xf32, #tpu.memory_space<vmem>> -> memref<320x32xf32, #tpu.memory_space<vmem>>
        tpu.enqueue_dma source(%dma_start3A_355 : memref<320x32xf32, #tpu.memory_space<vmem>>) target(%dma_start3A_352 : memref<320x32xf32, #tpu.memory_space<hbm>>) target_semaphore(%run_scoped3A_345 : memref<!tpu.dma_semaphore, #tpu.memory_space<semaphore_mem>>)
        %dma_wait3A_356 = arith.constant 0 : i32
        %dma_wait3A_357 = arith.constant 0 : i32
        %dma_wait3A_358 = tpu.memref_slice %arg21[%dma_wait3A_356, %dma_wait3A_357] : memref<320x32xf32, #tpu.memory_space<vmem>> -> memref<320x32xf32, #tpu.memory_space<vmem>>
        %dma_wait3A_359 = arith.constant 0 : i32
        %dma_wait3A_360 = tpu.memref_slice %arg9[%add3A_5, %dma_wait3A_359] : memref<10112x32xf32, #tpu.memory_space<hbm>> -> memref<320x32xf32, #tpu.memory_space<hbm>>
        %dma_wait3A_361 = arith.constant 0 : i32
        %dma_wait3A_362 = tpu.memref_slice %arg9[%add3A_5, %dma_wait3A_361] : memref<10112x32xf32, #tpu.memory_space<hbm>> -> memref<320x32xf32, #tpu.memory_space<hbm>>
        %dma_wait3A_363 = arith.constant 0 : i32
        %dma_wait3A_364 = arith.constant 0 : i32
        %dma_wait3A_365 = tpu.memref_slice %arg21[%dma_wait3A_363, %dma_wait3A_364] : memref<320x32xf32, #tpu.memory_space<vmem>> -> memref<320x32xf32, #tpu.memory_space<vmem>>
        tpu.wait_dma2 semaphore(%run_scoped3A_345 : memref<!tpu.dma_semaphore, #tpu.memory_space<semaphore_mem>>) src(%dma_wait3A_365 : memref<320x32xf32, #tpu.memory_space<vmem>>) dst(%dma_wait3A_362 : memref<320x32xf32, #tpu.memory_space<hbm>>)
        tpu.yield
      }) : () -> ()
      "tpu.region"() ({
        %run_scoped3A_345 = tpu.sem_alloc : memref<!tpu.dma_semaphore, #tpu.memory_space<semaphore_mem>>
        %dma_start3A_346 = arith.constant 0 : i32
        %dma_start3A_347 = arith.constant 0 : i32
        %dma_start3A_348 = tpu.memref_slice %arg19[%dma_start3A_346, %dma_start3A_347] : memref<320x16xf32, #tpu.memory_space<vmem>> -> memref<320x16xf32, #tpu.memory_space<vmem>>
        %dma_start3A_349 = arith.constant 0 : i32
        %dma_start3A_350 = tpu.memref_slice %arg10[%add3A_5, %dma_start3A_349] : memref<10112x16xf32, #tpu.memory_space<hbm>> -> memref<320x16xf32, #tpu.memory_space<hbm>>
        %dma_start3A_351 = arith.constant 0 : i32
        %dma_start3A_352 = tpu.memref_slice %arg10[%add3A_5, %dma_start3A_351] : memref<10112x16xf32, #tpu.memory_space<hbm>> -> memref<320x16xf32, #tpu.memory_space<hbm>>
        %dma_start3A_353 = arith.constant 0 : i32
        %dma_start3A_354 = arith.constant 0 : i32
        %dma_start3A_355 = tpu.memref_slice %arg19[%dma_start3A_353, %dma_start3A_354] : memref<320x16xf32, #tpu.memory_space<vmem>> -> memref<320x16xf32, #tpu.memory_space<vmem>>
        tpu.enqueue_dma source(%dma_start3A_355 : memref<320x16xf32, #tpu.memory_space<vmem>>) target(%dma_start3A_352 : memref<320x16xf32, #tpu.memory_space<hbm>>) target_semaphore(%run_scoped3A_345 : memref<!tpu.dma_semaphore, #tpu.memory_space<semaphore_mem>>)
        %dma_wait3A_356 = arith.constant 0 : i32
        %dma_wait3A_357 = arith.constant 0 : i32
        %dma_wait3A_358 = tpu.memref_slice %arg19[%dma_wait3A_356, %dma_wait3A_357] : memref<320x16xf32, #tpu.memory_space<vmem>> -> memref<320x16xf32, #tpu.memory_space<vmem>>
        %dma_wait3A_359 = arith.constant 0 : i32
        %dma_wait3A_360 = tpu.memref_slice %arg10[%add3A_5, %dma_wait3A_359] : memref<10112x16xf32, #tpu.memory_space<hbm>> -> memref<320x16xf32, #tpu.memory_space<hbm>>
        %dma_wait3A_361 = arith.constant 0 : i32
        %dma_wait3A_362 = tpu.memref_slice %arg10[%add3A_5, %dma_wait3A_361] : memref<10112x16xf32, #tpu.memory_space<hbm>> -> memref<320x16xf32, #tpu.memory_space<hbm>>
        %dma_wait3A_363 = arith.constant 0 : i32
        %dma_wait3A_364 = arith.constant 0 : i32
        %dma_wait3A_365 = tpu.memref_slice %arg19[%dma_wait3A_363, %dma_wait3A_364] : memref<320x16xf32, #tpu.memory_space<vmem>> -> memref<320x16xf32, #tpu.memory_space<vmem>>
        tpu.wait_dma2 semaphore(%run_scoped3A_345 : memref<!tpu.dma_semaphore, #tpu.memory_space<semaphore_mem>>) src(%dma_wait3A_365 : memref<320x16xf32, #tpu.memory_space<vmem>>) dst(%dma_wait3A_362 : memref<320x16xf32, #tpu.memory_space<hbm>>)
        tpu.yield
      }) : () -> ()
    } else {
    }
    %add3A_135 = arith.constant 320 : i32
    %add3A_136 = arith.addi %mul3A_2, %add3A_135 : i32
    %dma_start3A_137 = arith.constant 0 : i32
    %dma_start3A_138 = arith.constant 0 : i32
    %dma_start3A_139 = arith.constant 0 : i32
    %dma_start3A_140 = tpu.memref_slice %arg17[%dma_start3A_138, %dma_start3A_139] : memref<320x32xf32, #tpu.memory_space<vmem>> -> memref<312x32xf32, #tpu.memory_space<vmem>>
    %dma_start3A_141 = arith.constant 0 : i32
    %dma_start3A_142 = tpu.memref_slice %arg2[%dma_start3A_137, %add3A_136, %dma_start3A_141] : memref<2x10112x32xf32, #tpu.memory_space<hbm>> -> memref<1x312x32xf32, #tpu.memory_space<hbm>>
    %dma_start3A_143 = tpu.memref_squeeze %dma_start3A_142 : memref<1x312x32xf32, #tpu.memory_space<hbm>> -> memref<312x32xf32, #tpu.memory_space<hbm>>
    %dma_start3A_144 = arith.constant 0 : i32
    %dma_start3A_145 = arith.constant 0 : i32
    %dma_start3A_146 = tpu.memref_slice %arg17[%dma_start3A_144, %dma_start3A_145] : memref<320x32xf32, #tpu.memory_space<vmem>> -> memref<312x32xf32, #tpu.memory_space<vmem>>
    %dma_start3A_147 = arith.constant 0 : i32
    %dma_start3A_148 = tpu.memref_slice %arg2[%dma_start3A_137, %add3A_136, %dma_start3A_147] : memref<2x10112x32xf32, #tpu.memory_space<hbm>> -> memref<1x312x32xf32, #tpu.memory_space<hbm>>
    %dma_start3A_149 = tpu.memref_squeeze %dma_start3A_148 : memref<1x312x32xf32, #tpu.memory_space<hbm>> -> memref<312x32xf32, #tpu.memory_space<hbm>>
    tpu.enqueue_dma source(%dma_start3A_149 : memref<312x32xf32, #tpu.memory_space<hbm>>) target(%dma_start3A_146 : memref<312x32xf32, #tpu.memory_space<vmem>>) target_semaphore(%arg15 : memref<!tpu.dma_semaphore, #tpu.memory_space<semaphore_mem>>)
    %dma_start3A_150 = arith.constant 1 : i32
    %dma_start3A_151 = arith.constant 0 : i32
    %dma_start3A_152 = arith.constant 0 : i32
    %dma_start3A_153 = tpu.memref_slice %arg18[%dma_start3A_151, %dma_start3A_152] : memref<320x32xf32, #tpu.memory_space<vmem>> -> memref<312x32xf32, #tpu.memory_space<vmem>>
    %dma_start3A_154 = arith.constant 0 : i32
    %dma_start3A_155 = tpu.memref_slice %arg2[%dma_start3A_150, %add3A_136, %dma_start3A_154] : memref<2x10112x32xf32, #tpu.memory_space<hbm>> -> memref<1x312x32xf32, #tpu.memory_space<hbm>>
    %dma_start3A_156 = tpu.memref_squeeze %dma_start3A_155 : memref<1x312x32xf32, #tpu.memory_space<hbm>> -> memref<312x32xf32, #tpu.memory_space<hbm>>
    %dma_start3A_157 = arith.constant 0 : i32
    %dma_start3A_158 = arith.constant 0 : i32
    %dma_start3A_159 = tpu.memref_slice %arg18[%dma_start3A_157, %dma_start3A_158] : memref<320x32xf32, #tpu.memory_space<vmem>> -> memref<312x32xf32, #tpu.memory_space<vmem>>
    %dma_start3A_160 = arith.constant 0 : i32
    %dma_start3A_161 = tpu.memref_slice %arg2[%dma_start3A_150, %add3A_136, %dma_start3A_160] : memref<2x10112x32xf32, #tpu.memory_space<hbm>> -> memref<1x312x32xf32, #tpu.memory_space<hbm>>
    %dma_start3A_162 = tpu.memref_squeeze %dma_start3A_161 : memref<1x312x32xf32, #tpu.memory_space<hbm>> -> memref<312x32xf32, #tpu.memory_space<hbm>>
    tpu.enqueue_dma source(%dma_start3A_162 : memref<312x32xf32, #tpu.memory_space<hbm>>) target(%dma_start3A_159 : memref<312x32xf32, #tpu.memory_space<vmem>>) target_semaphore(%arg15 : memref<!tpu.dma_semaphore, #tpu.memory_space<semaphore_mem>>)
    %dma_start3A_163 = arith.constant 0 : i32
    %dma_start3A_164 = arith.constant 0 : i32
    %dma_start3A_165 = arith.constant 0 : i32
    %dma_start3A_166 = tpu.memref_slice %arg19[%dma_start3A_164, %dma_start3A_165] : memref<320x16xf32, #tpu.memory_space<vmem>> -> memref<312x16xf32, #tpu.memory_space<vmem>>
    %dma_start3A_167 = arith.constant 0 : i32
    %dma_start3A_168 = tpu.memref_slice %arg3[%dma_start3A_163, %add3A_136, %dma_start3A_167] : memref<2x10112x16xf32, #tpu.memory_space<hbm>> -> memref<1x312x16xf32, #tpu.memory_space<hbm>>
    %dma_start3A_169 = tpu.memref_squeeze %dma_start3A_168 : memref<1x312x16xf32, #tpu.memory_space<hbm>> -> memref<312x16xf32, #tpu.memory_space<hbm>>
    %dma_start3A_170 = arith.constant 0 : i32
    %dma_start3A_171 = arith.constant 0 : i32
    %dma_start3A_172 = tpu.memref_slice %arg19[%dma_start3A_170, %dma_start3A_171] : memref<320x16xf32, #tpu.memory_space<vmem>> -> memref<312x16xf32, #tpu.memory_space<vmem>>
    %dma_start3A_173 = arith.constant 0 : i32
    %dma_start3A_174 = tpu.memref_slice %arg3[%dma_start3A_163, %add3A_136, %dma_start3A_173] : memref<2x10112x16xf32, #tpu.memory_space<hbm>> -> memref<1x312x16xf32, #tpu.memory_space<hbm>>
    %dma_start3A_175 = tpu.memref_squeeze %dma_start3A_174 : memref<1x312x16xf32, #tpu.memory_space<hbm>> -> memref<312x16xf32, #tpu.memory_space<hbm>>
    tpu.enqueue_dma source(%dma_start3A_175 : memref<312x16xf32, #tpu.memory_space<hbm>>) target(%dma_start3A_172 : memref<312x16xf32, #tpu.memory_space<vmem>>) target_semaphore(%arg15 : memref<!tpu.dma_semaphore, #tpu.memory_space<semaphore_mem>>)
    %dma_start3A_176 = arith.constant 1 : i32
    %dma_start3A_177 = arith.constant 0 : i32
    %dma_start3A_178 = arith.constant 0 : i32
    %dma_start3A_179 = tpu.memref_slice %arg20[%dma_start3A_177, %dma_start3A_178] : memref<320x16xf32, #tpu.memory_space<vmem>> -> memref<312x16xf32, #tpu.memory_space<vmem>>
    %dma_start3A_180 = arith.constant 0 : i32
    %dma_start3A_181 = tpu.memref_slice %arg3[%dma_start3A_176, %add3A_136, %dma_start3A_180] : memref<2x10112x16xf32, #tpu.memory_space<hbm>> -> memref<1x312x16xf32, #tpu.memory_space<hbm>>
    %dma_start3A_182 = tpu.memref_squeeze %dma_start3A_181 : memref<1x312x16xf32, #tpu.memory_space<hbm>> -> memref<312x16xf32, #tpu.memory_space<hbm>>
    %dma_start3A_183 = arith.constant 0 : i32
    %dma_start3A_184 = arith.constant 0 : i32
    %dma_start3A_185 = tpu.memref_slice %arg20[%dma_start3A_183, %dma_start3A_184] : memref<320x16xf32, #tpu.memory_space<vmem>> -> memref<312x16xf32, #tpu.memory_space<vmem>>
    %dma_start3A_186 = arith.constant 0 : i32
    %dma_start3A_187 = tpu.memref_slice %arg3[%dma_start3A_176, %add3A_136, %dma_start3A_186] : memref<2x10112x16xf32, #tpu.memory_space<hbm>> -> memref<1x312x16xf32, #tpu.memory_space<hbm>>
    %dma_start3A_188 = tpu.memref_squeeze %dma_start3A_187 : memref<1x312x16xf32, #tpu.memory_space<hbm>> -> memref<312x16xf32, #tpu.memory_space<hbm>>
    tpu.enqueue_dma source(%dma_start3A_188 : memref<312x16xf32, #tpu.memory_space<hbm>>) target(%dma_start3A_185 : memref<312x16xf32, #tpu.memory_space<vmem>>) target_semaphore(%arg15 : memref<!tpu.dma_semaphore, #tpu.memory_space<semaphore_mem>>)
    %dma_start3A_189 = arith.constant 0 : i32
    %dma_start3A_190 = arith.constant 0 : i32
    %dma_start3A_191 = tpu.memref_slice %arg21[%dma_start3A_189, %dma_start3A_190] : memref<320x32xf32, #tpu.memory_space<vmem>> -> memref<312x32xf32, #tpu.memory_space<vmem>>
    %dma_start3A_192 = arith.constant 0 : i32
    %dma_start3A_193 = tpu.memref_slice %arg4[%add3A_136, %dma_start3A_192] : memref<10112x32xf32, #tpu.memory_space<hbm>> -> memref<312x32xf32, #tpu.memory_space<hbm>>
    %dma_start3A_194 = arith.constant 0 : i32
    %dma_start3A_195 = arith.constant 0 : i32
    %dma_start3A_196 = tpu.memref_slice %arg21[%dma_start3A_194, %dma_start3A_195] : memref<320x32xf32, #tpu.memory_space<vmem>> -> memref<312x32xf32, #tpu.memory_space<vmem>>
    %dma_start3A_197 = arith.constant 0 : i32
    %dma_start3A_198 = tpu.memref_slice %arg4[%add3A_136, %dma_start3A_197] : memref<10112x32xf32, #tpu.memory_space<hbm>> -> memref<312x32xf32, #tpu.memory_space<hbm>>
    tpu.enqueue_dma source(%dma_start3A_198 : memref<312x32xf32, #tpu.memory_space<hbm>>) target(%dma_start3A_196 : memref<312x32xf32, #tpu.memory_space<vmem>>) target_semaphore(%arg15 : memref<!tpu.dma_semaphore, #tpu.memory_space<semaphore_mem>>)
    %dma_wait3A_199 = arith.constant 0 : i32
    %dma_wait3A_200 = arith.constant 0 : i32
    %dma_wait3A_201 = arith.constant 0 : i32
    %dma_wait3A_202 = tpu.memref_slice %arg17[%dma_wait3A_200, %dma_wait3A_201] : memref<320x32xf32, #tpu.memory_space<vmem>> -> memref<312x32xf32, #tpu.memory_space<vmem>>
    %dma_wait3A_203 = arith.constant 0 : i32
    %dma_wait3A_204 = tpu.memref_slice %arg2[%dma_wait3A_199, %add3A_136, %dma_wait3A_203] : memref<2x10112x32xf32, #tpu.memory_space<hbm>> -> memref<1x312x32xf32, #tpu.memory_space<hbm>>
    %dma_wait3A_205 = tpu.memref_squeeze %dma_wait3A_204 : memref<1x312x32xf32, #tpu.memory_space<hbm>> -> memref<312x32xf32, #tpu.memory_space<hbm>>
    %dma_wait3A_206 = arith.constant 0 : i32
    %dma_wait3A_207 = arith.constant 0 : i32
    %dma_wait3A_208 = tpu.memref_slice %arg17[%dma_wait3A_206, %dma_wait3A_207] : memref<320x32xf32, #tpu.memory_space<vmem>> -> memref<312x32xf32, #tpu.memory_space<vmem>>
    %dma_wait3A_209 = arith.constant 0 : i32
    %dma_wait3A_210 = tpu.memref_slice %arg2[%dma_wait3A_199, %add3A_136, %dma_wait3A_209] : memref<2x10112x32xf32, #tpu.memory_space<hbm>> -> memref<1x312x32xf32, #tpu.memory_space<hbm>>
    %dma_wait3A_211 = tpu.memref_squeeze %dma_wait3A_210 : memref<1x312x32xf32, #tpu.memory_space<hbm>> -> memref<312x32xf32, #tpu.memory_space<hbm>>
    tpu.wait_dma2 semaphore(%arg15 : memref<!tpu.dma_semaphore, #tpu.memory_space<semaphore_mem>>) src(%dma_wait3A_211 : memref<312x32xf32, #tpu.memory_space<hbm>>) dst(%dma_wait3A_208 : memref<312x32xf32, #tpu.memory_space<vmem>>)
    %dma_wait3A_212 = arith.constant 0 : i32
    %dma_wait3A_213 = arith.constant 0 : i32
    %dma_wait3A_214 = arith.constant 0 : i32
    %dma_wait3A_215 = tpu.memref_slice %arg17[%dma_wait3A_213, %dma_wait3A_214] : memref<320x32xf32, #tpu.memory_space<vmem>> -> memref<312x32xf32, #tpu.memory_space<vmem>>
    %dma_wait3A_216 = arith.constant 0 : i32
    %dma_wait3A_217 = tpu.memref_slice %arg2[%dma_wait3A_212, %add3A_136, %dma_wait3A_216] : memref<2x10112x32xf32, #tpu.memory_space<hbm>> -> memref<1x312x32xf32, #tpu.memory_space<hbm>>
    %dma_wait3A_218 = tpu.memref_squeeze %dma_wait3A_217 : memref<1x312x32xf32, #tpu.memory_space<hbm>> -> memref<312x32xf32, #tpu.memory_space<hbm>>
    %dma_wait3A_219 = arith.constant 0 : i32
    %dma_wait3A_220 = arith.constant 0 : i32
    %dma_wait3A_221 = tpu.memref_slice %arg17[%dma_wait3A_219, %dma_wait3A_220] : memref<320x32xf32, #tpu.memory_space<vmem>> -> memref<312x32xf32, #tpu.memory_space<vmem>>
    %dma_wait3A_222 = arith.constant 0 : i32
    %dma_wait3A_223 = tpu.memref_slice %arg2[%dma_wait3A_212, %add3A_136, %dma_wait3A_222] : memref<2x10112x32xf32, #tpu.memory_space<hbm>> -> memref<1x312x32xf32, #tpu.memory_space<hbm>>
    %dma_wait3A_224 = tpu.memref_squeeze %dma_wait3A_223 : memref<1x312x32xf32, #tpu.memory_space<hbm>> -> memref<312x32xf32, #tpu.memory_space<hbm>>
    tpu.wait_dma2 semaphore(%arg15 : memref<!tpu.dma_semaphore, #tpu.memory_space<semaphore_mem>>) src(%dma_wait3A_224 : memref<312x32xf32, #tpu.memory_space<hbm>>) dst(%dma_wait3A_221 : memref<312x32xf32, #tpu.memory_space<vmem>>)
    %dma_wait3A_225 = arith.constant 0 : i32
    %dma_wait3A_226 = arith.constant 0 : i32
    %dma_wait3A_227 = arith.constant 0 : i32
    %dma_wait3A_228 = tpu.memref_slice %arg19[%dma_wait3A_226, %dma_wait3A_227] : memref<320x16xf32, #tpu.memory_space<vmem>> -> memref<312x16xf32, #tpu.memory_space<vmem>>
    %dma_wait3A_229 = arith.constant 0 : i32
    %dma_wait3A_230 = tpu.memref_slice %arg3[%dma_wait3A_225, %add3A_136, %dma_wait3A_229] : memref<2x10112x16xf32, #tpu.memory_space<hbm>> -> memref<1x312x16xf32, #tpu.memory_space<hbm>>
    %dma_wait3A_231 = tpu.memref_squeeze %dma_wait3A_230 : memref<1x312x16xf32, #tpu.memory_space<hbm>> -> memref<312x16xf32, #tpu.memory_space<hbm>>
    %dma_wait3A_232 = arith.constant 0 : i32
    %dma_wait3A_233 = arith.constant 0 : i32
    %dma_wait3A_234 = tpu.memref_slice %arg19[%dma_wait3A_232, %dma_wait3A_233] : memref<320x16xf32, #tpu.memory_space<vmem>> -> memref<312x16xf32, #tpu.memory_space<vmem>>
    %dma_wait3A_235 = arith.constant 0 : i32
    %dma_wait3A_236 = tpu.memref_slice %arg3[%dma_wait3A_225, %add3A_136, %dma_wait3A_235] : memref<2x10112x16xf32, #tpu.memory_space<hbm>> -> memref<1x312x16xf32, #tpu.memory_space<hbm>>
    %dma_wait3A_237 = tpu.memref_squeeze %dma_wait3A_236 : memref<1x312x16xf32, #tpu.memory_space<hbm>> -> memref<312x16xf32, #tpu.memory_space<hbm>>
    tpu.wait_dma2 semaphore(%arg15 : memref<!tpu.dma_semaphore, #tpu.memory_space<semaphore_mem>>) src(%dma_wait3A_237 : memref<312x16xf32, #tpu.memory_space<hbm>>) dst(%dma_wait3A_234 : memref<312x16xf32, #tpu.memory_space<vmem>>)
    %dma_wait3A_238 = arith.constant 0 : i32
    %dma_wait3A_239 = arith.constant 0 : i32
    %dma_wait3A_240 = arith.constant 0 : i32
    %dma_wait3A_241 = tpu.memref_slice %arg19[%dma_wait3A_239, %dma_wait3A_240] : memref<320x16xf32, #tpu.memory_space<vmem>> -> memref<312x16xf32, #tpu.memory_space<vmem>>
    %dma_wait3A_242 = arith.constant 0 : i32
    %dma_wait3A_243 = tpu.memref_slice %arg3[%dma_wait3A_238, %add3A_136, %dma_wait3A_242] : memref<2x10112x16xf32, #tpu.memory_space<hbm>> -> memref<1x312x16xf32, #tpu.memory_space<hbm>>
    %dma_wait3A_244 = tpu.memref_squeeze %dma_wait3A_243 : memref<1x312x16xf32, #tpu.memory_space<hbm>> -> memref<312x16xf32, #tpu.memory_space<hbm>>
    %dma_wait3A_245 = arith.constant 0 : i32
    %dma_wait3A_246 = arith.constant 0 : i32
    %dma_wait3A_247 = tpu.memref_slice %arg19[%dma_wait3A_245, %dma_wait3A_246] : memref<320x16xf32, #tpu.memory_space<vmem>> -> memref<312x16xf32, #tpu.memory_space<vmem>>
    %dma_wait3A_248 = arith.constant 0 : i32
    %dma_wait3A_249 = tpu.memref_slice %arg3[%dma_wait3A_238, %add3A_136, %dma_wait3A_248] : memref<2x10112x16xf32, #tpu.memory_space<hbm>> -> memref<1x312x16xf32, #tpu.memory_space<hbm>>
    %dma_wait3A_250 = tpu.memref_squeeze %dma_wait3A_249 : memref<1x312x16xf32, #tpu.memory_space<hbm>> -> memref<312x16xf32, #tpu.memory_space<hbm>>
    tpu.wait_dma2 semaphore(%arg15 : memref<!tpu.dma_semaphore, #tpu.memory_space<semaphore_mem>>) src(%dma_wait3A_250 : memref<312x16xf32, #tpu.memory_space<hbm>>) dst(%dma_wait3A_247 : memref<312x16xf32, #tpu.memory_space<vmem>>)
    %dma_wait3A_251 = arith.constant 0 : i32
    %dma_wait3A_252 = arith.constant 0 : i32
    %dma_wait3A_253 = tpu.memref_slice %arg21[%dma_wait3A_251, %dma_wait3A_252] : memref<320x32xf32, #tpu.memory_space<vmem>> -> memref<312x32xf32, #tpu.memory_space<vmem>>
    %dma_wait3A_254 = arith.constant 0 : i32
    %dma_wait3A_255 = tpu.memref_slice %arg4[%add3A_136, %dma_wait3A_254] : memref<10112x32xf32, #tpu.memory_space<hbm>> -> memref<312x32xf32, #tpu.memory_space<hbm>>
    %dma_wait3A_256 = arith.constant 0 : i32
    %dma_wait3A_257 = arith.constant 0 : i32
    %dma_wait3A_258 = tpu.memref_slice %arg21[%dma_wait3A_256, %dma_wait3A_257] : memref<320x32xf32, #tpu.memory_space<vmem>> -> memref<312x32xf32, #tpu.memory_space<vmem>>
    %dma_wait3A_259 = arith.constant 0 : i32
    %dma_wait3A_260 = tpu.memref_slice %arg4[%add3A_136, %dma_wait3A_259] : memref<10112x32xf32, #tpu.memory_space<hbm>> -> memref<312x32xf32, #tpu.memory_space<hbm>>
    tpu.wait_dma2 semaphore(%arg15 : memref<!tpu.dma_semaphore, #tpu.memory_space<semaphore_mem>>) src(%dma_wait3A_260 : memref<312x32xf32, #tpu.memory_space<hbm>>) dst(%dma_wait3A_258 : memref<312x32xf32, #tpu.memory_space<vmem>>)
    %scan3A_261 = arith.constant 0 : i32
    %scan3A_262 = arith.constant 0 : i32
    %scan3A_263 = arith.constant 312 : i32
    %scan3A_264 = arith.addi %scan3A_262, %scan3A_263 : i32
    %scan3A_265 = arith.constant 1 : i32
    scf.for %scan3A_345 = %scan3A_262 to %scan3A_264 step %scan3A_265  : i32 {
      %get3A = arith.index_cast %scan3A_345 : i32 to index
      %get3A_346 = arith.constant 0 : index
      %get3A_347 = tpu.vector_load %arg19[%get3A, %get3A_346] {strides = array<i32>} : memref<320x16xf32, #tpu.memory_space<vmem>>, vector<1x16xf32>,
      %get3A_348 = vector.shape_cast %get3A_347 : vector<1x16xf32> to vector<16xf32>
      %get3A_349 = arith.index_cast %scan3A_345 : i32 to index
      %get3A_350 = arith.constant 0 : index
      %get3A_351 = tpu.vector_load %arg20[%get3A_349, %get3A_350] {strides = array<i32>} : memref<320x16xf32, #tpu.memory_space<vmem>>, vector<1x16xf32>,
      %get3A_352 = vector.shape_cast %get3A_351 : vector<1x16xf32> to vector<16xf32>
      %add3A_353 = arith.addf %get3A_348, %get3A_352 : vector<16xf32>
      %max3A = arith.constant 1.000000e+00 : f32
      %max3A_354 = vector.broadcast %max3A : f32 to vector<16xf32>
      %max3A_355 = arith.maximumf %add3A_353, %max3A_354 : vector<16xf32>
      %div3A = arith.constant 1.000000e+00 : f32
      %div3A_356 = vector.broadcast %div3A : f32 to vector<16xf32>
      %div3A_357 = arith.divf %div3A_356, %max3A_355 : vector<16xf32>
      %swap3A = arith.index_cast %scan3A_345 : i32 to index
      %swap3A_358 = arith.constant 0 : index
      %swap3A_359 = tpu.vector_load %arg19[%swap3A, %swap3A_358] {strides = array<i32>} : memref<320x16xf32, #tpu.memory_space<vmem>>, vector<1x16xf32>,
      %swap3A_360 = vector.shape_cast %swap3A_359 : vector<1x16xf32> to vector<16xf32>
      %swap3A_361 = vector.shape_cast %div3A_357 : vector<16xf32> to vector<1x16xf32>
      tpu.vector_store %arg19[%swap3A, %swap3A_358], %swap3A_361 {strides = array<i32>} : memref<320x16xf32, #tpu.memory_space<vmem>>, vector<1x16xf32>,
      %get3A_362 = arith.index_cast %scan3A_345 : i32 to index
      %get3A_363 = arith.constant 0 : index
      %get3A_364 = tpu.vector_load %arg17[%get3A_362, %get3A_363] {strides = array<i32>} : memref<320x32xf32, #tpu.memory_space<vmem>>, vector<1x16xf32>,
      %get3A_365 = vector.shape_cast %get3A_364 : vector<1x16xf32> to vector<16xf32>
      %get3A_366 = arith.index_cast %scan3A_345 : i32 to index
      %get3A_367 = arith.constant 0 : index
      %get3A_368 = tpu.vector_load %arg18[%get3A_366, %get3A_367] {strides = array<i32>} : memref<320x32xf32, #tpu.memory_space<vmem>>, vector<1x16xf32>,
      %get3A_369 = vector.shape_cast %get3A_368 : vector<1x16xf32> to vector<16xf32>
      %add3A_370 = arith.addf %get3A_365, %get3A_369 : vector<16xf32>
      %mul3A_371 = arith.mulf %add3A_370, %div3A_357 : vector<16xf32>
      %get3A_372 = arith.constant 0 : index
      %get3A_373 = tpu.vector_load %arg22[%get3A_372] {strides = array<i32>} : memref<32xf32, #tpu.memory_space<vmem>>, vector<16xf32>,
      %get3A_374 = vector.shape_cast %get3A_373 : vector<16xf32> to vector<16xf32>
      %add3A_375 = arith.addf %mul3A_371, %get3A_374 : vector<16xf32>
      %get3A_376 = arith.index_cast %scan3A_345 : i32 to index
      %get3A_377 = arith.constant 0 : index
      %get3A_378 = tpu.vector_load %arg21[%get3A_376, %get3A_377] {strides = array<i32>} : memref<320x32xf32, #tpu.memory_space<vmem>>, vector<1x16xf32>,
      %get3A_379 = vector.shape_cast %get3A_378 : vector<1x16xf32> to vector<16xf32>
      %add3A_380 = arith.addf %add3A_375, %get3A_379 : vector<16xf32>
      %max3A_381 = arith.constant 0.000000e+00 : f32
      %max3A_382 = vector.broadcast %max3A_381 : f32 to vector<16xf32>
      %max3A_383 = arith.maximumf %add3A_380, %max3A_382 : vector<16xf32>
      %swap3A_384 = arith.index_cast %scan3A_345 : i32 to index
      %swap3A_385 = arith.constant 0 : index
      %swap3A_386 = tpu.vector_load %arg21[%swap3A_384, %swap3A_385] {strides = array<i32>} : memref<320x32xf32, #tpu.memory_space<vmem>>, vector<1x16xf32>,
      %swap3A_387 = vector.shape_cast %swap3A_386 : vector<1x16xf32> to vector<16xf32>
      %swap3A_388 = vector.shape_cast %max3A_383 : vector<16xf32> to vector<1x16xf32>
      tpu.vector_store %arg21[%swap3A_384, %swap3A_385], %swap3A_388 {strides = array<i32>} : memref<320x32xf32, #tpu.memory_space<vmem>>, vector<1x16xf32>,
      %get3A_389 = arith.index_cast %scan3A_345 : i32 to index
      %get3A_390 = arith.constant 16 : index
      %get3A_391 = tpu.vector_load %arg17[%get3A_389, %get3A_390] {strides = array<i32>} : memref<320x32xf32, #tpu.memory_space<vmem>>, vector<1x16xf32>,
      %get3A_392 = vector.shape_cast %get3A_391 : vector<1x16xf32> to vector<16xf32>
      %get3A_393 = arith.index_cast %scan3A_345 : i32 to index
      %get3A_394 = arith.constant 16 : index
      %get3A_395 = tpu.vector_load %arg18[%get3A_393, %get3A_394] {strides = array<i32>} : memref<320x32xf32, #tpu.memory_space<vmem>>, vector<1x16xf32>,
      %get3A_396 = vector.shape_cast %get3A_395 : vector<1x16xf32> to vector<16xf32>
      %add3A_397 = arith.addf %get3A_392, %get3A_396 : vector<16xf32>
      %mul3A_398 = arith.mulf %add3A_397, %div3A_357 : vector<16xf32>
      %get3A_399 = arith.constant 16 : index
      %get3A_400 = tpu.vector_load %arg22[%get3A_399] {strides = array<i32>} : memref<32xf32, #tpu.memory_space<vmem>>, vector<16xf32>,
      %get3A_401 = vector.shape_cast %get3A_400 : vector<16xf32> to vector<16xf32>
      %add3A_402 = arith.addf %mul3A_398, %get3A_401 : vector<16xf32>
      %get3A_403 = arith.index_cast %scan3A_345 : i32 to index
      %get3A_404 = arith.constant 16 : index
      %get3A_405 = tpu.vector_load %arg21[%get3A_403, %get3A_404] {strides = array<i32>} : memref<320x32xf32, #tpu.memory_space<vmem>>, vector<1x16xf32>,
      %get3A_406 = vector.shape_cast %get3A_405 : vector<1x16xf32> to vector<16xf32>
      %add3A_407 = arith.addf %add3A_402, %get3A_406 : vector<16xf32>
      %max3A_408 = arith.constant 0.000000e+00 : f32
      %max3A_409 = vector.broadcast %max3A_408 : f32 to vector<16xf32>
      %max3A_410 = arith.maximumf %add3A_407, %max3A_409 : vector<16xf32>
      %swap3A_411 = arith.index_cast %scan3A_345 : i32 to index
      %swap3A_412 = arith.constant 16 : index
      %swap3A_413 = tpu.vector_load %arg21[%swap3A_411, %swap3A_412] {strides = array<i32>} : memref<320x32xf32, #tpu.memory_space<vmem>>, vector<1x16xf32>,
      %swap3A_414 = vector.shape_cast %swap3A_413 : vector<1x16xf32> to vector<16xf32>
      %swap3A_415 = vector.shape_cast %max3A_410 : vector<16xf32> to vector<1x16xf32>
      tpu.vector_store %arg21[%swap3A_411, %swap3A_412], %swap3A_415 {strides = array<i32>} : memref<320x32xf32, #tpu.memory_space<vmem>>, vector<1x16xf32>,
    }
    %scan3A_266 = arith.constant 312 : i32
    "tpu.region"() ({
      %run_scoped3A_345 = tpu.sem_alloc : memref<!tpu.dma_semaphore, #tpu.memory_space<semaphore_mem>>
      %dma_start3A_346 = arith.constant 0 : i32
      %dma_start3A_347 = arith.constant 0 : i32
      %dma_start3A_348 = tpu.memref_slice %arg21[%dma_start3A_346, %dma_start3A_347] : memref<320x32xf32, #tpu.memory_space<vmem>> -> memref<312x32xf32, #tpu.memory_space<vmem>>
      %dma_start3A_349 = arith.constant 0 : i32
      %dma_start3A_350 = tpu.memref_slice %arg23[%add3A_136, %dma_start3A_349] : memref<10112x32xf32, #tpu.memory_space<vmem_shared>> -> memref<312x32xf32, #tpu.memory_space<vmem_shared>>
      %dma_start3A_351 = arith.constant 0 : i32
      %dma_start3A_352 = tpu.memref_slice %arg23[%add3A_136, %dma_start3A_351] : memref<10112x32xf32, #tpu.memory_space<vmem_shared>> -> memref<312x32xf32, #tpu.memory_space<vmem_shared>>
      %dma_start3A_353 = arith.constant 0 : i32
      %dma_start3A_354 = arith.constant 0 : i32
      %dma_start3A_355 = tpu.memref_slice %arg21[%dma_start3A_353, %dma_start3A_354] : memref<320x32xf32, #tpu.memory_space<vmem>> -> memref<312x32xf32, #tpu.memory_space<vmem>>
      tpu.enqueue_dma source(%dma_start3A_355 : memref<312x32xf32, #tpu.memory_space<vmem>>) target(%dma_start3A_352 : memref<312x32xf32, #tpu.memory_space<vmem_shared>>) target_semaphore(%run_scoped3A_345 : memref<!tpu.dma_semaphore, #tpu.memory_space<semaphore_mem>>)
      %dma_wait3A_356 = arith.constant 0 : i32
      %dma_wait3A_357 = arith.constant 0 : i32
      %dma_wait3A_358 = tpu.memref_slice %arg21[%dma_wait3A_356, %dma_wait3A_357] : memref<320x32xf32, #tpu.memory_space<vmem>> -> memref<312x32xf32, #tpu.memory_space<vmem>>
      %dma_wait3A_359 = arith.constant 0 : i32
      %dma_wait3A_360 = tpu.memref_slice %arg23[%add3A_136, %dma_wait3A_359] : memref<10112x32xf32, #tpu.memory_space<vmem_shared>> -> memref<312x32xf32, #tpu.memory_space<vmem_shared>>
      %dma_wait3A_361 = arith.constant 0 : i32
      %dma_wait3A_362 = tpu.memref_slice %arg23[%add3A_136, %dma_wait3A_361] : memref<10112x32xf32, #tpu.memory_space<vmem_shared>> -> memref<312x32xf32, #tpu.memory_space<vmem_shared>>
      %dma_wait3A_363 = arith.constant 0 : i32
      %dma_wait3A_364 = arith.constant 0 : i32
      %dma_wait3A_365 = tpu.memref_slice %arg21[%dma_wait3A_363, %dma_wait3A_364] : memref<320x32xf32, #tpu.memory_space<vmem>> -> memref<312x32xf32, #tpu.memory_space<vmem>>
      tpu.wait_dma2 semaphore(%run_scoped3A_345 : memref<!tpu.dma_semaphore, #tpu.memory_space<semaphore_mem>>) src(%dma_wait3A_365 : memref<312x32xf32, #tpu.memory_space<vmem>>) dst(%dma_wait3A_362 : memref<312x32xf32, #tpu.memory_space<vmem_shared>>)
      tpu.yield
    }) : () -> ()
    %eq3A_267 = arith.constant 0 : i32
    %eq3A_268 = arith.cmpi eq, %arg0, %eq3A_267 : i32
    %convert_element_type3A_269 = arith.extui %eq3A_268 : i1 to i32
    %cond3A_270 = arith.constant 0 : i32
    %cond3A_271 = arith.cmpi ne, %convert_element_type3A_269, %cond3A_270 : i32
    scf.if %cond3A_271 {
      "tpu.region"() ({
        %run_scoped3A_345 = tpu.sem_alloc : memref<!tpu.dma_semaphore, #tpu.memory_space<semaphore_mem>>
        %dma_start3A_346 = arith.constant 0 : i32
        %dma_start3A_347 = arith.constant 0 : i32
        %dma_start3A_348 = tpu.memref_slice %arg21[%dma_start3A_346, %dma_start3A_347] : memref<320x32xf32, #tpu.memory_space<vmem>> -> memref<312x32xf32, #tpu.memory_space<vmem>>
        %dma_start3A_349 = arith.constant 0 : i32
        %dma_start3A_350 = tpu.memref_slice %arg9[%add3A_136, %dma_start3A_349] : memref<10112x32xf32, #tpu.memory_space<hbm>> -> memref<312x32xf32, #tpu.memory_space<hbm>>
        %dma_start3A_351 = arith.constant 0 : i32
        %dma_start3A_352 = tpu.memref_slice %arg9[%add3A_136, %dma_start3A_351] : memref<10112x32xf32, #tpu.memory_space<hbm>> -> memref<312x32xf32, #tpu.memory_space<hbm>>
        %dma_start3A_353 = arith.constant 0 : i32
        %dma_start3A_354 = arith.constant 0 : i32
        %dma_start3A_355 = tpu.memref_slice %arg21[%dma_start3A_353, %dma_start3A_354] : memref<320x32xf32, #tpu.memory_space<vmem>> -> memref<312x32xf32, #tpu.memory_space<vmem>>
        tpu.enqueue_dma source(%dma_start3A_355 : memref<312x32xf32, #tpu.memory_space<vmem>>) target(%dma_start3A_352 : memref<312x32xf32, #tpu.memory_space<hbm>>) target_semaphore(%run_scoped3A_345 : memref<!tpu.dma_semaphore, #tpu.memory_space<semaphore_mem>>)
        %dma_wait3A_356 = arith.constant 0 : i32
        %dma_wait3A_357 = arith.constant 0 : i32
        %dma_wait3A_358 = tpu.memref_slice %arg21[%dma_wait3A_356, %dma_wait3A_357] : memref<320x32xf32, #tpu.memory_space<vmem>> -> memref<312x32xf32, #tpu.memory_space<vmem>>
        %dma_wait3A_359 = arith.constant 0 : i32
        %dma_wait3A_360 = tpu.memref_slice %arg9[%add3A_136, %dma_wait3A_359] : memref<10112x32xf32, #tpu.memory_space<hbm>> -> memref<312x32xf32, #tpu.memory_space<hbm>>
        %dma_wait3A_361 = arith.constant 0 : i32
        %dma_wait3A_362 = tpu.memref_slice %arg9[%add3A_136, %dma_wait3A_361] : memref<10112x32xf32, #tpu.memory_space<hbm>> -> memref<312x32xf32, #tpu.memory_space<hbm>>
        %dma_wait3A_363 = arith.constant 0 : i32
        %dma_wait3A_364 = arith.constant 0 : i32
        %dma_wait3A_365 = tpu.memref_slice %arg21[%dma_wait3A_363, %dma_wait3A_364] : memref<320x32xf32, #tpu.memory_space<vmem>> -> memref<312x32xf32, #tpu.memory_space<vmem>>
        tpu.wait_dma2 semaphore(%run_scoped3A_345 : memref<!tpu.dma_semaphore, #tpu.memory_space<semaphore_mem>>) src(%dma_wait3A_365 : memref<312x32xf32, #tpu.memory_space<vmem>>) dst(%dma_wait3A_362 : memref<312x32xf32, #tpu.memory_space<hbm>>)
        tpu.yield
      }) : () -> ()
      "tpu.region"() ({
        %run_scoped3A_345 = tpu.sem_alloc : memref<!tpu.dma_semaphore, #tpu.memory_space<semaphore_mem>>
        %dma_start3A_346 = arith.constant 0 : i32
        %dma_start3A_347 = arith.constant 0 : i32
        %dma_start3A_348 = tpu.memref_slice %arg19[%dma_start3A_346, %dma_start3A_347] : memref<320x16xf32, #tpu.memory_space<vmem>> -> memref<312x16xf32, #tpu.memory_space<vmem>>
        %dma_start3A_349 = arith.constant 0 : i32
        %dma_start3A_350 = tpu.memref_slice %arg10[%add3A_136, %dma_start3A_349] : memref<10112x16xf32, #tpu.memory_space<hbm>> -> memref<312x16xf32, #tpu.memory_space<hbm>>
        %dma_start3A_351 = arith.constant 0 : i32
        %dma_start3A_352 = tpu.memref_slice %arg10[%add3A_136, %dma_start3A_351] : memref<10112x16xf32, #tpu.memory_space<hbm>> -> memref<312x16xf32, #tpu.memory_space<hbm>>
        %dma_start3A_353 = arith.constant 0 : i32
        %dma_start3A_354 = arith.constant 0 : i32
        %dma_start3A_355 = tpu.memref_slice %arg19[%dma_start3A_353, %dma_start3A_354] : memref<320x16xf32, #tpu.memory_space<vmem>> -> memref<312x16xf32, #tpu.memory_space<vmem>>
        tpu.enqueue_dma source(%dma_start3A_355 : memref<312x16xf32, #tpu.memory_space<vmem>>) target(%dma_start3A_352 : memref<312x16xf32, #tpu.memory_space<hbm>>) target_semaphore(%run_scoped3A_345 : memref<!tpu.dma_semaphore, #tpu.memory_space<semaphore_mem>>)
        %dma_wait3A_356 = arith.constant 0 : i32
        %dma_wait3A_357 = arith.constant 0 : i32
        %dma_wait3A_358 = tpu.memref_slice %arg19[%dma_wait3A_356, %dma_wait3A_357] : memref<320x16xf32, #tpu.memory_space<vmem>> -> memref<312x16xf32, #tpu.memory_space<vmem>>
        %dma_wait3A_359 = arith.constant 0 : i32
        %dma_wait3A_360 = tpu.memref_slice %arg10[%add3A_136, %dma_wait3A_359] : memref<10112x16xf32, #tpu.memory_space<hbm>> -> memref<312x16xf32, #tpu.memory_space<hbm>>
        %dma_wait3A_361 = arith.constant 0 : i32
        %dma_wait3A_362 = tpu.memref_slice %arg10[%add3A_136, %dma_wait3A_361] : memref<10112x16xf32, #tpu.memory_space<hbm>> -> memref<312x16xf32, #tpu.memory_space<hbm>>
        %dma_wait3A_363 = arith.constant 0 : i32
        %dma_wait3A_364 = arith.constant 0 : i32
        %dma_wait3A_365 = tpu.memref_slice %arg19[%dma_wait3A_363, %dma_wait3A_364] : memref<320x16xf32, #tpu.memory_space<vmem>> -> memref<312x16xf32, #tpu.memory_space<vmem>>
        tpu.wait_dma2 semaphore(%run_scoped3A_345 : memref<!tpu.dma_semaphore, #tpu.memory_space<semaphore_mem>>) src(%dma_wait3A_365 : memref<312x16xf32, #tpu.memory_space<vmem>>) dst(%dma_wait3A_362 : memref<312x16xf32, #tpu.memory_space<hbm>>)
        tpu.yield
      }) : () -> ()
    } else {
    }
    %barrier3A = arith.constant 0 : index
    tpu.barrier barrier_id(%barrier3A)
    %dma_start3A_272 = arith.constant 0 : i32
    %dma_start3A_273 = arith.constant 0 : i32
    %dma_start3A_274 = arith.constant 0 : i32
    %dma_start3A_275 = arith.constant 0 : i32
    %dma_start3A_276 = tpu.memref_slice %arg13[%dma_start3A_273, %dma_start3A_274, %dma_start3A_275] : memref<10x80x32xf32, #tpu.memory_space<vmem>> -> memref<1x80x32xf32, #tpu.memory_space<vmem>>
    %dma_start3A_277 = tpu.memref_squeeze %dma_start3A_276 : memref<1x80x32xf32, #tpu.memory_space<vmem>> -> memref<80x32xf32, #tpu.memory_space<vmem>>
    %dma_start3A_278 = arith.constant 0 : i32
    %dma_start3A_279 = tpu.memref_slice %arg11[%dma_start3A_272, %dma_start3A_278] : memref<125x80xi32, #tpu.memory_space<vmem>> -> memref<1x80xi32, #tpu.memory_space<vmem>>
    %dma_start3A_280 = tpu.memref_squeeze %dma_start3A_279 : memref<1x80xi32, #tpu.memory_space<vmem>> -> memref<80xi32, #tpu.memory_space<vmem>>
    %dma_start3A_281 = arith.constant 0 : i32
    %dma_start3A_282 = arith.constant 0 : i32
    %dma_start3A_283 = tpu.memref_slice %arg23[%dma_start3A_281, %dma_start3A_282] : memref<10112x32xf32, #tpu.memory_space<vmem_shared>> -> memref<10112x32xf32, #tpu.memory_space<vmem_shared>>
    tpu.enqueue_indirect_dma source(%dma_start3A_283 : memref<10112x32xf32, #tpu.memory_space<vmem_shared>>) target(%dma_start3A_277 : memref<80x32xf32, #tpu.memory_space<vmem>>) offsets(%dma_start3A_280 : memref<80xi32, #tpu.memory_space<vmem>>) semaphore(%arg14 : memref<!tpu.dma_semaphore, #tpu.memory_space<semaphore_mem>>)
    %dma_start3A_284 = arith.constant 1 : i32
    %dma_start3A_285 = arith.constant 1 : i32
    %dma_start3A_286 = arith.constant 0 : i32
    %dma_start3A_287 = arith.constant 0 : i32
    %dma_start3A_288 = tpu.memref_slice %arg13[%dma_start3A_285, %dma_start3A_286, %dma_start3A_287] : memref<10x80x32xf32, #tpu.memory_space<vmem>> -> memref<1x80x32xf32, #tpu.memory_space<vmem>>
    %dma_start3A_289 = tpu.memref_squeeze %dma_start3A_288 : memref<1x80x32xf32, #tpu.memory_space<vmem>> -> memref<80x32xf32, #tpu.memory_space<vmem>>
    %dma_start3A_290 = arith.constant 0 : i32
    %dma_start3A_291 = tpu.memref_slice %arg11[%dma_start3A_284, %dma_start3A_290] : memref<125x80xi32, #tpu.memory_space<vmem>> -> memref<1x80xi32, #tpu.memory_space<vmem>>
    %dma_start3A_292 = tpu.memref_squeeze %dma_start3A_291 : memref<1x80xi32, #tpu.memory_space<vmem>> -> memref<80xi32, #tpu.memory_space<vmem>>
    %dma_start3A_293 = arith.constant 0 : i32
    %dma_start3A_294 = arith.constant 0 : i32
    %dma_start3A_295 = tpu.memref_slice %arg23[%dma_start3A_293, %dma_start3A_294] : memref<10112x32xf32, #tpu.memory_space<vmem_shared>> -> memref<10112x32xf32, #tpu.memory_space<vmem_shared>>
    tpu.enqueue_indirect_dma source(%dma_start3A_295 : memref<10112x32xf32, #tpu.memory_space<vmem_shared>>) target(%dma_start3A_289 : memref<80x32xf32, #tpu.memory_space<vmem>>) offsets(%dma_start3A_292 : memref<80xi32, #tpu.memory_space<vmem>>) semaphore(%arg14 : memref<!tpu.dma_semaphore, #tpu.memory_space<semaphore_mem>>)
    %dma_start3A_296 = arith.constant 2 : i32
    %dma_start3A_297 = arith.constant 2 : i32
    %dma_start3A_298 = arith.constant 0 : i32
    %dma_start3A_299 = arith.constant 0 : i32
    %dma_start3A_300 = tpu.memref_slice %arg13[%dma_start3A_297, %dma_start3A_298, %dma_start3A_299] : memref<10x80x32xf32, #tpu.memory_space<vmem>> -> memref<1x80x32xf32, #tpu.memory_space<vmem>>
    %dma_start3A_301 = tpu.memref_squeeze %dma_start3A_300 : memref<1x80x32xf32, #tpu.memory_space<vmem>> -> memref<80x32xf32, #tpu.memory_space<vmem>>
    %dma_start3A_302 = arith.constant 0 : i32
    %dma_start3A_303 = tpu.memref_slice %arg11[%dma_start3A_296, %dma_start3A_302] : memref<125x80xi32, #tpu.memory_space<vmem>> -> memref<1x80xi32, #tpu.memory_space<vmem>>
    %dma_start3A_304 = tpu.memref_squeeze %dma_start3A_303 : memref<1x80xi32, #tpu.memory_space<vmem>> -> memref<80xi32, #tpu.memory_space<vmem>>
    %dma_start3A_305 = arith.constant 0 : i32
    %dma_start3A_306 = arith.constant 0 : i32
    %dma_start3A_307 = tpu.memref_slice %arg23[%dma_start3A_305, %dma_start3A_306] : memref<10112x32xf32, #tpu.memory_space<vmem_shared>> -> memref<10112x32xf32, #tpu.memory_space<vmem_shared>>
    tpu.enqueue_indirect_dma source(%dma_start3A_307 : memref<10112x32xf32, #tpu.memory_space<vmem_shared>>) target(%dma_start3A_301 : memref<80x32xf32, #tpu.memory_space<vmem>>) offsets(%dma_start3A_304 : memref<80xi32, #tpu.memory_space<vmem>>) semaphore(%arg14 : memref<!tpu.dma_semaphore, #tpu.memory_space<semaphore_mem>>)
    %dma_start3A_308 = arith.constant 3 : i32
    %dma_start3A_309 = arith.constant 3 : i32
    %dma_start3A_310 = arith.constant 0 : i32
    %dma_start3A_311 = arith.constant 0 : i32
    %dma_start3A_312 = tpu.memref_slice %arg13[%dma_start3A_309, %dma_start3A_310, %dma_start3A_311] : memref<10x80x32xf32, #tpu.memory_space<vmem>> -> memref<1x80x32xf32, #tpu.memory_space<vmem>>
    %dma_start3A_313 = tpu.memref_squeeze %dma_start3A_312 : memref<1x80x32xf32, #tpu.memory_space<vmem>> -> memref<80x32xf32, #tpu.memory_space<vmem>>
    %dma_start3A_314 = arith.constant 0 : i32
    %dma_start3A_315 = tpu.memref_slice %arg11[%dma_start3A_308, %dma_start3A_314] : memref<125x80xi32, #tpu.memory_space<vmem>> -> memref<1x80xi32, #tpu.memory_space<vmem>>
    %dma_start3A_316 = tpu.memref_squeeze %dma_start3A_315 : memref<1x80xi32, #tpu.memory_space<vmem>> -> memref<80xi32, #tpu.memory_space<vmem>>
    %dma_start3A_317 = arith.constant 0 : i32
    %dma_start3A_318 = arith.constant 0 : i32
    %dma_start3A_319 = tpu.memref_slice %arg23[%dma_start3A_317, %dma_start3A_318] : memref<10112x32xf32, #tpu.memory_space<vmem_shared>> -> memref<10112x32xf32, #tpu.memory_space<vmem_shared>>
    tpu.enqueue_indirect_dma source(%dma_start3A_319 : memref<10112x32xf32, #tpu.memory_space<vmem_shared>>) target(%dma_start3A_313 : memref<80x32xf32, #tpu.memory_space<vmem>>) offsets(%dma_start3A_316 : memref<80xi32, #tpu.memory_space<vmem>>) semaphore(%arg14 : memref<!tpu.dma_semaphore, #tpu.memory_space<semaphore_mem>>)
    %dma_start3A_320 = arith.constant 4 : i32
    %dma_start3A_321 = arith.constant 4 : i32
    %dma_start3A_322 = arith.constant 0 : i32
    %dma_start3A_323 = arith.constant 0 : i32
    %dma_start3A_324 = tpu.memref_slice %arg13[%dma_start3A_321, %dma_start3A_322, %dma_start3A_323] : memref<10x80x32xf32, #tpu.memory_space<vmem>> -> memref<1x80x32xf32, #tpu.memory_space<vmem>>
    %dma_start3A_325 = tpu.memref_squeeze %dma_start3A_324 : memref<1x80x32xf32, #tpu.memory_space<vmem>> -> memref<80x32xf32, #tpu.memory_space<vmem>>
    %dma_start3A_326 = arith.constant 0 : i32
    %dma_start3A_327 = tpu.memref_slice %arg11[%dma_start3A_320, %dma_start3A_326] : memref<125x80xi32, #tpu.memory_space<vmem>> -> memref<1x80xi32, #tpu.memory_space<vmem>>
    %dma_start3A_328 = tpu.memref_squeeze %dma_start3A_327 : memref<1x80xi32, #tpu.memory_space<vmem>> -> memref<80xi32, #tpu.memory_space<vmem>>
    %dma_start3A_329 = arith.constant 0 : i32
    %dma_start3A_330 = arith.constant 0 : i32
    %dma_start3A_331 = tpu.memref_slice %arg23[%dma_start3A_329, %dma_start3A_330] : memref<10112x32xf32, #tpu.memory_space<vmem_shared>> -> memref<10112x32xf32, #tpu.memory_space<vmem_shared>>
    tpu.enqueue_indirect_dma source(%dma_start3A_331 : memref<10112x32xf32, #tpu.memory_space<vmem_shared>>) target(%dma_start3A_325 : memref<80x32xf32, #tpu.memory_space<vmem>>) offsets(%dma_start3A_328 : memref<80xi32, #tpu.memory_space<vmem>>) semaphore(%arg14 : memref<!tpu.dma_semaphore, #tpu.memory_space<semaphore_mem>>)
    %scan3A_332 = arith.constant 0 : i32
    %scan3A_333 = arith.constant 0 : i32
    %scan3A_334 = arith.constant 125 : i32
    %scan3A_335 = arith.addi %scan3A_333, %scan3A_334 : i32
    %scan3A_336 = arith.constant 1 : i32
    scf.for %scan3A_345 = %scan3A_333 to %scan3A_335 step %scan3A_336  : i32 {
      %rem3A = arith.constant 10 : i32
      %rem3A_346 = arith.remsi %scan3A_345, %rem3A : i32
      %add3A_347 = arith.constant 5 : i32
      %add3A_348 = arith.addi %scan3A_345, %add3A_347 : i32
      %lt3A = arith.constant 125 : i32
      %lt3A_349 = arith.cmpi slt, %add3A_348, %lt3A : i32
      %convert_element_type3A_350 = arith.extui %lt3A_349 : i1 to i32
      %cond3A_351 = arith.constant 0 : i32
      %cond3A_352 = arith.cmpi ne, %convert_element_type3A_350, %cond3A_351 : i32
      scf.if %cond3A_352 {
        %add3A_377 = arith.constant 5 : i32
        %add3A_378 = arith.addi %scan3A_345, %add3A_377 : i32
        %add3A_379 = arith.constant 5 : i32
        %add3A_380 = arith.addi %scan3A_345, %add3A_379 : i32
        %rem3A_381 = arith.constant 10 : i32
        %rem3A_382 = arith.remsi %add3A_380, %rem3A_381 : i32
        %dma_start3A_383 = arith.constant 0 : i32
        %dma_start3A_384 = arith.constant 0 : i32
        %dma_start3A_385 = tpu.memref_slice %arg13[%rem3A_382, %dma_start3A_383, %dma_start3A_384] : memref<10x80x32xf32, #tpu.memory_space<vmem>> -> memref<1x80x32xf32, #tpu.memory_space<vmem>>
        %dma_start3A_386 = tpu.memref_squeeze %dma_start3A_385 : memref<1x80x32xf32, #tpu.memory_space<vmem>> -> memref<80x32xf32, #tpu.memory_space<vmem>>
        %dma_start3A_387 = arith.constant 0 : i32
        %dma_start3A_388 = tpu.memref_slice %arg11[%add3A_378, %dma_start3A_387] : memref<125x80xi32, #tpu.memory_space<vmem>> -> memref<1x80xi32, #tpu.memory_space<vmem>>
        %dma_start3A_389 = tpu.memref_squeeze %dma_start3A_388 : memref<1x80xi32, #tpu.memory_space<vmem>> -> memref<80xi32, #tpu.memory_space<vmem>>
        %dma_start3A_390 = arith.constant 0 : i32
        %dma_start3A_391 = arith.constant 0 : i32
        %dma_start3A_392 = tpu.memref_slice %arg23[%dma_start3A_390, %dma_start3A_391] : memref<10112x32xf32, #tpu.memory_space<vmem_shared>> -> memref<10112x32xf32, #tpu.memory_space<vmem_shared>>
        tpu.enqueue_indirect_dma source(%dma_start3A_392 : memref<10112x32xf32, #tpu.memory_space<vmem_shared>>) target(%dma_start3A_386 : memref<80x32xf32, #tpu.memory_space<vmem>>) offsets(%dma_start3A_389 : memref<80xi32, #tpu.memory_space<vmem>>) semaphore(%arg14 : memref<!tpu.dma_semaphore, #tpu.memory_space<semaphore_mem>>)
      } else {
      }
      %ge3A = arith.constant 4 : i32
      %ge3A_353 = arith.cmpi sge, %scan3A_345, %ge3A : i32
      %convert_element_type3A_354 = arith.extui %ge3A_353 : i1 to i32
      %cond3A_355 = arith.constant 0 : i32
      %cond3A_356 = arith.cmpi ne, %convert_element_type3A_354, %cond3A_355 : i32
      scf.if %cond3A_356 {
        %sub3A = arith.constant 4 : i32
        %sub3A_377 = arith.subi %scan3A_345, %sub3A : i32
        %rem3A_378 = arith.constant 10 : i32
        %rem3A_379 = arith.remsi %sub3A_377, %rem3A_378 : i32
        %sub3A_380 = arith.constant 4 : i32
        %sub3A_381 = arith.subi %scan3A_345, %sub3A_380 : i32
        %dma_wait3A_382 = arith.constant 0 : i32
        %dma_wait3A_383 = arith.constant 0 : i32
        %dma_wait3A_384 = tpu.memref_slice %arg13[%rem3A_379, %dma_wait3A_382, %dma_wait3A_383] : memref<10x80x32xf32, #tpu.memory_space<vmem>> -> memref<1x80x32xf32, #tpu.memory_space<vmem>>
        %dma_wait3A_385 = tpu.memref_squeeze %dma_wait3A_384 : memref<1x80x32xf32, #tpu.memory_space<vmem>> -> memref<80x32xf32, #tpu.memory_space<vmem>>
        %dma_wait3A_386 = arith.constant 0 : i32
        %dma_wait3A_387 = tpu.memref_slice %arg12[%sub3A_381, %dma_wait3A_386] : memref<125x80xi32, #tpu.memory_space<vmem>> -> memref<1x80xi32, #tpu.memory_space<vmem>>
        %dma_wait3A_388 = tpu.memref_squeeze %dma_wait3A_387 : memref<1x80xi32, #tpu.memory_space<vmem>> -> memref<80xi32, #tpu.memory_space<vmem>>
        %dma_wait3A_389 = arith.constant 0 : i32
        %dma_wait3A_390 = arith.constant 0 : i32
        %dma_wait3A_391 = tpu.memref_slice %arg24[%dma_wait3A_389, %dma_wait3A_390] : memref<10112x32xf32, #tpu.memory_space<vmem_shared>> -> memref<10112x32xf32, #tpu.memory_space<vmem_shared>>
        tpu.wait_indirect_dma semaphore(%arg16 : memref<!tpu.dma_semaphore, #tpu.memory_space<semaphore_mem>>) src(%dma_wait3A_385 : memref<80x32xf32, #tpu.memory_space<vmem>>) dst(%dma_wait3A_391 : memref<10112x32xf32, #tpu.memory_space<vmem_shared>>)
      } else {
      }
      %dma_wait3A_357 = arith.constant 0 : i32
      %dma_wait3A_358 = arith.constant 0 : i32
      %dma_wait3A_359 = tpu.memref_slice %arg13[%rem3A_346, %dma_wait3A_357, %dma_wait3A_358] : memref<10x80x32xf32, #tpu.memory_space<vmem>> -> memref<1x80x32xf32, #tpu.memory_space<vmem>>
      %dma_wait3A_360 = tpu.memref_squeeze %dma_wait3A_359 : memref<1x80x32xf32, #tpu.memory_space<vmem>> -> memref<80x32xf32, #tpu.memory_space<vmem>>
      %dma_wait3A_361 = arith.constant 0 : i32
      %dma_wait3A_362 = tpu.memref_slice %arg11[%scan3A_345, %dma_wait3A_361] : memref<125x80xi32, #tpu.memory_space<vmem>> -> memref<1x80xi32, #tpu.memory_space<vmem>>
      %dma_wait3A_363 = tpu.memref_squeeze %dma_wait3A_362 : memref<1x80xi32, #tpu.memory_space<vmem>> -> memref<80xi32, #tpu.memory_space<vmem>>
      %dma_wait3A_364 = arith.constant 0 : i32
      %dma_wait3A_365 = arith.constant 0 : i32
      %dma_wait3A_366 = tpu.memref_slice %arg23[%dma_wait3A_364, %dma_wait3A_365] : memref<10112x32xf32, #tpu.memory_space<vmem_shared>> -> memref<10112x32xf32, #tpu.memory_space<vmem_shared>>
      tpu.wait_indirect_dma semaphore(%arg14 : memref<!tpu.dma_semaphore, #tpu.memory_space<semaphore_mem>>) src(%dma_wait3A_366 : memref<10112x32xf32, #tpu.memory_space<vmem_shared>>) dst(%dma_wait3A_360 : memref<80x32xf32, #tpu.memory_space<vmem>>)
      %dma_start3A_367 = arith.constant 0 : i32
      %dma_start3A_368 = arith.constant 0 : i32
      %dma_start3A_369 = tpu.memref_slice %arg13[%rem3A_346, %dma_start3A_367, %dma_start3A_368] : memref<10x80x32xf32, #tpu.memory_space<vmem>> -> memref<1x80x32xf32, #tpu.memory_space<vmem>>
      %dma_start3A_370 = tpu.memref_squeeze %dma_start3A_369 : memref<1x80x32xf32, #tpu.memory_space<vmem>> -> memref<80x32xf32, #tpu.memory_space<vmem>>
      %dma_start3A_371 = arith.constant 0 : i32
      %dma_start3A_372 = tpu.memref_slice %arg12[%scan3A_345, %dma_start3A_371] : memref<125x80xi32, #tpu.memory_space<vmem>> -> memref<1x80xi32, #tpu.memory_space<vmem>>
      %dma_start3A_373 = tpu.memref_squeeze %dma_start3A_372 : memref<1x80xi32, #tpu.memory_space<vmem>> -> memref<80xi32, #tpu.memory_space<vmem>>
      %dma_start3A_374 = arith.constant 0 : i32
      %dma_start3A_375 = arith.constant 0 : i32
      %dma_start3A_376 = tpu.memref_slice %arg24[%dma_start3A_374, %dma_start3A_375] : memref<10112x32xf32, #tpu.memory_space<vmem_shared>> -> memref<10112x32xf32, #tpu.memory_space<vmem_shared>>
      tpu.enqueue_indirect_dma source(%dma_start3A_370 : memref<80x32xf32, #tpu.memory_space<vmem>>) target(%dma_start3A_376 : memref<10112x32xf32, #tpu.memory_space<vmem_shared>>) offsets(%dma_start3A_373 : memref<80xi32, #tpu.memory_space<vmem>>) semaphore(%arg16 : memref<!tpu.dma_semaphore, #tpu.memory_space<semaphore_mem>>) {add = true}
    }
    %scan3A_337 = arith.constant 125 : i32
    %scan3A_338 = arith.constant 0 : i32
    %scan3A_339 = arith.constant 0 : i32
    %scan3A_340 = arith.constant 4 : i32
    %scan3A_341 = arith.addi %scan3A_339, %scan3A_340 : i32
    %scan3A_342 = arith.constant 1 : i32
    scf.for %scan3A_345 = %scan3A_339 to %scan3A_341 step %scan3A_342  : i32 {
      %dma_wait3A_346 = arith.constant 0 : i32
      %dma_wait3A_347 = arith.constant 0 : i32
      %dma_wait3A_348 = arith.constant 0 : i32
      %dma_wait3A_349 = arith.constant 0 : i32
      %dma_wait3A_350 = tpu.memref_slice %arg13[%dma_wait3A_346, %dma_wait3A_348, %dma_wait3A_349] : memref<10x80x32xf32, #tpu.memory_space<vmem>> -> memref<1x80x32xf32, #tpu.memory_space<vmem>>
      %dma_wait3A_351 = tpu.memref_squeeze %dma_wait3A_350 : memref<1x80x32xf32, #tpu.memory_space<vmem>> -> memref<80x32xf32, #tpu.memory_space<vmem>>
      %dma_wait3A_352 = arith.constant 0 : i32
      %dma_wait3A_353 = tpu.memref_slice %arg12[%dma_wait3A_347, %dma_wait3A_352] : memref<125x80xi32, #tpu.memory_space<vmem>> -> memref<1x80xi32, #tpu.memory_space<vmem>>
      %dma_wait3A_354 = tpu.memref_squeeze %dma_wait3A_353 : memref<1x80xi32, #tpu.memory_space<vmem>> -> memref<80xi32, #tpu.memory_space<vmem>>
      %dma_wait3A_355 = arith.constant 0 : i32
      %dma_wait3A_356 = arith.constant 0 : i32
      %dma_wait3A_357 = tpu.memref_slice %arg24[%dma_wait3A_355, %dma_wait3A_356] : memref<10112x32xf32, #tpu.memory_space<vmem_shared>> -> memref<10112x32xf32, #tpu.memory_space<vmem_shared>>
      tpu.wait_indirect_dma semaphore(%arg16 : memref<!tpu.dma_semaphore, #tpu.memory_space<semaphore_mem>>) src(%dma_wait3A_351 : memref<80x32xf32, #tpu.memory_space<vmem>>) dst(%dma_wait3A_357 : memref<10112x32xf32, #tpu.memory_space<vmem_shared>>)
    }
    %scan3A_343 = arith.constant 4 : i32
    %barrier3A_344 = arith.constant 0 : index
    tpu.barrier barrier_id(%barrier3A_344)
    "tpu.region"() ({
      %run_scoped3A_345 = tpu.sem_alloc : memref<!tpu.dma_semaphore, #tpu.memory_space<semaphore_mem>>
      %dma_start3A_346 = arith.constant 0 : i32
      %dma_start3A_347 = tpu.memref_slice %arg8[%arg0, %mul3A_2, %dma_start3A_346] : memref<2x10112x32xf32, #tpu.memory_space<hbm>> -> memref<1x632x32xf32, #tpu.memory_space<hbm>>
      %dma_start3A_348 = tpu.memref_squeeze %dma_start3A_347 : memref<1x632x32xf32, #tpu.memory_space<hbm>> -> memref<632x32xf32, #tpu.memory_space<hbm>>
      %dma_start3A_349 = arith.constant 0 : i32
      %dma_start3A_350 = tpu.memref_slice %arg24[%mul3A_2, %dma_start3A_349] : memref<10112x32xf32, #tpu.memory_space<vmem_shared>> -> memref<632x32xf32, #tpu.memory_space<vmem_shared>>
      tpu.enqueue_dma source(%dma_start3A_350 : memref<632x32xf32, #tpu.memory_space<vmem_shared>>) target(%dma_start3A_348 : memref<632x32xf32, #tpu.memory_space<hbm>>) target_semaphore(%run_scoped3A_345 : memref<!tpu.dma_semaphore, #tpu.memory_space<semaphore_mem>>)
      %dma_wait3A_351 = arith.constant 0 : i32
      %dma_wait3A_352 = tpu.memref_slice %arg8[%arg0, %mul3A_2, %dma_wait3A_351] : memref<2x10112x32xf32, #tpu.memory_space<hbm>> -> memref<1x632x32xf32, #tpu.memory_space<hbm>>
      %dma_wait3A_353 = tpu.memref_squeeze %dma_wait3A_352 : memref<1x632x32xf32, #tpu.memory_space<hbm>> -> memref<632x32xf32, #tpu.memory_space<hbm>>
      %dma_wait3A_354 = arith.constant 0 : i32
      %dma_wait3A_355 = tpu.memref_slice %arg24[%mul3A_2, %dma_wait3A_354] : memref<10112x32xf32, #tpu.memory_space<vmem_shared>> -> memref<632x32xf32, #tpu.memory_space<vmem_shared>>
      tpu.wait_dma2 semaphore(%run_scoped3A_345 : memref<!tpu.dma_semaphore, #tpu.memory_space<semaphore_mem>>) src(%dma_wait3A_355 : memref<632x32xf32, #tpu.memory_space<vmem_shared>>) dst(%dma_wait3A_353 : memref<632x32xf32, #tpu.memory_space<hbm>>)
      tpu.yield
    }) : () -> ()
    return
  }
}

module attributes {stable_mosaic.version = 14 : i64} {
  func.func @_proj_body(%arg0: i32, %arg1: memref<1264x128xf32, #tpu.memory_space<vmem>>, %arg2: memref<128x32xf32, #tpu.memory_space<vmem>>, %arg3: memref<128x32xf32, #tpu.memory_space<vmem>>, %arg4: memref<1264x32xf32, #tpu.memory_space<vmem>>, %arg5: memref<1264x32xf32, #tpu.memory_space<vmem>>) attributes {dimension_semantics = [#tpu.dimension_semantics<arbitrary>], iteration_bounds = array<i64: 8>, scalar_prefetch = 0 : i64, scratch_operands = 0 : i64, tpu.core_type = #tpu.core_type<tc>, window_params = [{transform_indices = @transform_0, window_bounds = array<i64: 1264, 128>}, {pipeline_mode = #tpu.pipeline_mode<synchronous>, transform_indices = @transform_1, window_bounds = array<i64: 128, 32>}, {pipeline_mode = #tpu.pipeline_mode<synchronous>, transform_indices = @transform_2, window_bounds = array<i64: 128, 32>}, {transform_indices = @transform_3, window_bounds = array<i64: 1264, 32>}, {transform_indices = @transform_4, window_bounds = array<i64: 1264, 32>}]} {
    %get3A = arith.constant 0 : index
    %get3A_0 = arith.constant 0 : index
    %get3A_1 = vector.load %arg1[%get3A, %get3A_0] : memref<1264x128xf32, #tpu.memory_space<vmem>>, vector<1264x128xf32>
    %get3A_2 = arith.constant 0 : index
    %get3A_3 = arith.constant 0 : index
    %get3A_4 = vector.load %arg2[%get3A_2, %get3A_3] : memref<128x32xf32, #tpu.memory_space<vmem>>, vector<128x32xf32>
    %dot_general3A = arith.constant dense<0.000000e+00> : vector<1264x32xf32>
    %dot_general3A_5 = tpu.matmul %get3A_1, %get3A_4, %dot_general3A {dimension_numbers = #tpu.dot_dimension_numbers<[1], [0], [0], [1], [0, 0, 1, 1], [], []>, transpose_lhs_hint = false} : vector<1264x128xf32>, vector<128x32xf32>, vector<1264x32xf32> -> vector<1264x32xf32>
    %swap3A = arith.constant 0 : index
    %swap3A_6 = arith.constant 0 : index
    %swap3A_7 = vector.load %arg4[%swap3A, %swap3A_6] : memref<1264x32xf32, #tpu.memory_space<vmem>>, vector<1264x32xf32>
    tpu.vector_store %arg4[%swap3A, %swap3A_6], %dot_general3A_5 {strides = array<i32>} : memref<1264x32xf32, #tpu.memory_space<vmem>>, vector<1264x32xf32>,
    %get3A_8 = arith.constant 0 : index
    %get3A_9 = arith.constant 0 : index
    %get3A_10 = vector.load %arg3[%get3A_8, %get3A_9] : memref<128x32xf32, #tpu.memory_space<vmem>>, vector<128x32xf32>
    %dot_general3A_11 = arith.constant dense<0.000000e+00> : vector<1264x32xf32>
    %dot_general3A_12 = tpu.matmul %get3A_1, %get3A_10, %dot_general3A_11 {dimension_numbers = #tpu.dot_dimension_numbers<[1], [0], [0], [1], [0, 0, 1, 1], [], []>, transpose_lhs_hint = false} : vector<1264x128xf32>, vector<128x32xf32>, vector<1264x32xf32> -> vector<1264x32xf32>
    %swap3A_13 = arith.constant 0 : index
    %swap3A_14 = arith.constant 0 : index
    %swap3A_15 = vector.load %arg5[%swap3A_13, %swap3A_14] : memref<1264x32xf32, #tpu.memory_space<vmem>>, vector<1264x32xf32>
    tpu.vector_store %arg5[%swap3A_13, %swap3A_14], %dot_general3A_12 {strides = array<i32>} : memref<1264x32xf32, #tpu.memory_space<vmem>>, vector<1264x32xf32>,
    return
  }
  func.func @transform_0(%arg0: i32) -> (i32, i32) {
    %c0_i32 = arith.constant 0 : i32
    %c0_i32_0 = arith.constant 0 : i32
    return %arg0, %c0_i32 : i32, i32
  }
  func.func @transform_1(%arg0: i32) -> (i32, i32) {
    %c0_i32 = arith.constant 0 : i32
    %c0_i32_0 = arith.constant 0 : i32
    %c0_i32_1 = arith.constant 0 : i32
    return %c0_i32, %c0_i32_0 : i32, i32
  }
  func.func @transform_2(%arg0: i32) -> (i32, i32) {
    %c0_i32 = arith.constant 0 : i32
    %c0_i32_0 = arith.constant 0 : i32
    %c0_i32_1 = arith.constant 0 : i32
    return %c0_i32, %c0_i32_0 : i32, i32
  }
  func.func @transform_3(%arg0: i32) -> (i32, i32) {
    %c0_i32 = arith.constant 0 : i32
    %c0_i32_0 = arith.constant 0 : i32
    return %arg0, %c0_i32 : i32, i32
  }
  func.func @transform_4(%arg0: i32) -> (i32, i32) {
    %c0_i32 = arith.constant 0 : i32
    %c0_i32_0 = arith.constant 0 : i32
    return %arg0, %c0_i32 : i32, i32
  }
}

module attributes {stable_mosaic.version = 14 : i64} {
  func.func @_out_body(%arg0: i32, %arg1: memref<2x2000x32xf32, #tpu.memory_space<vmem>>, %arg2: memref<2000x16xf32, #tpu.memory_space<vmem>>, %arg3: memref<2000x32xf32, #tpu.memory_space<vmem>>, %arg4: memref<32x128xf32, #tpu.memory_space<vmem>>, %arg5: memref<1x128xf32, #tpu.memory_space<vmem>>, %arg6: memref<32x128xf32, #tpu.memory_space<vmem>>, %arg7: memref<2000x128xf32, #tpu.memory_space<vmem>>) attributes {dimension_semantics = [#tpu.dimension_semantics<arbitrary>], iteration_bounds = array<i64: 5>, scalar_prefetch = 0 : i64, scratch_operands = 0 : i64, tpu.core_type = #tpu.core_type<tc>, window_params = [{transform_indices = @transform_0, window_bounds = array<i64: 2, 2000, 32>}, {transform_indices = @transform_1, window_bounds = array<i64: 2000, 16>}, {transform_indices = @transform_2, window_bounds = array<i64: 2000, 32>}, {pipeline_mode = #tpu.pipeline_mode<synchronous>, transform_indices = @transform_3, window_bounds = array<i64: 32, 128>}, {pipeline_mode = #tpu.pipeline_mode<synchronous>, transform_indices = @transform_4, window_bounds = array<i64: 1, 128>}, {pipeline_mode = #tpu.pipeline_mode<synchronous>, transform_indices = @transform_5, window_bounds = array<i64: 32, 128>}, {transform_indices = @transform_6, window_bounds = array<i64: 2000, 128>}]} {
    %get3A = arith.constant 0 : index
    %get3A_0 = arith.constant 0 : index
    %get3A_1 = arith.constant 0 : index
    %get3A_2 = vector.load %arg1[%get3A, %get3A_0, %get3A_1] : memref<2x2000x32xf32, #tpu.memory_space<vmem>>, vector<1x2000x32xf32>
    %get3A_3 = vector.shape_cast %get3A_2 : vector<1x2000x32xf32> to vector<2000x32xf32>
    %get3A_4 = arith.constant 1 : index
    %get3A_5 = arith.constant 0 : index
    %get3A_6 = arith.constant 0 : index
    %get3A_7 = vector.load %arg1[%get3A_4, %get3A_5, %get3A_6] : memref<2x2000x32xf32, #tpu.memory_space<vmem>>, vector<1x2000x32xf32>
    %get3A_8 = vector.shape_cast %get3A_7 : vector<1x2000x32xf32> to vector<2000x32xf32>
    %add3A = arith.addf %get3A_3, %get3A_8 : vector<2000x32xf32>
    %get3A_9 = arith.constant 0 : index
    %get3A_10 = arith.constant 0 : index
    %get3A_11 = vector.load %arg2[%get3A_9, %get3A_10] : memref<2000x16xf32, #tpu.memory_space<vmem>>, vector<2000x1xf32>
    %mul3A = vector.broadcast %get3A_11 : vector<2000x1xf32> to vector<2000x32xf32>
    %mul3A_12 = arith.mulf %add3A, %mul3A : vector<2000x32xf32>
    %get3A_13 = arith.constant 0 : index
    %get3A_14 = arith.constant 0 : index
    %get3A_15 = vector.load %arg4[%get3A_13, %get3A_14] : memref<32x128xf32, #tpu.memory_space<vmem>>, vector<32x128xf32>
    %dot_general3A = arith.constant dense<0.000000e+00> : vector<2000x128xf32>
    %dot_general3A_16 = tpu.matmul %mul3A_12, %get3A_15, %dot_general3A {dimension_numbers = #tpu.dot_dimension_numbers<[1], [0], [0], [1], [0, 0, 1, 1], [], []>, transpose_lhs_hint = false} : vector<2000x32xf32>, vector<32x128xf32>, vector<2000x128xf32> -> vector<2000x128xf32>
    %get3A_17 = arith.constant 0 : index
    %get3A_18 = arith.constant 0 : index
    %get3A_19 = vector.load %arg5[%get3A_17, %get3A_18] : memref<1x128xf32, #tpu.memory_space<vmem>>, vector<1x128xf32>
    %add3A_20 = vector.broadcast %get3A_19 : vector<1x128xf32> to vector<2000x128xf32>
    %add3A_21 = arith.addf %dot_general3A_16, %add3A_20 : vector<2000x128xf32>
    %get3A_22 = arith.constant 0 : index
    %get3A_23 = arith.constant 0 : index
    %get3A_24 = vector.load %arg3[%get3A_22, %get3A_23] : memref<2000x32xf32, #tpu.memory_space<vmem>>, vector<2000x32xf32>
    %get3A_25 = arith.constant 0 : index
    %get3A_26 = arith.constant 0 : index
    %get3A_27 = vector.load %arg6[%get3A_25, %get3A_26] : memref<32x128xf32, #tpu.memory_space<vmem>>, vector<32x128xf32>
    %dot_general3A_28 = arith.constant dense<0.000000e+00> : vector<2000x128xf32>
    %dot_general3A_29 = tpu.matmul %get3A_24, %get3A_27, %dot_general3A_28 {dimension_numbers = #tpu.dot_dimension_numbers<[1], [0], [0], [1], [0, 0, 1, 1], [], []>, transpose_lhs_hint = false} : vector<2000x32xf32>, vector<32x128xf32>, vector<2000x128xf32> -> vector<2000x128xf32>
    %add3A_30 = arith.addf %add3A_21, %dot_general3A_29 : vector<2000x128xf32>
    %reduce_max3A = arith.constant dense<0xFF800000> : vector<2000xf32>
    %reduce_max3A_31 = vector.multi_reduction <maximumf>, %add3A_30, %reduce_max3A [1] : vector<2000x128xf32> to vector<2000xf32>
    %broadcast_in_dim3A = vector.shape_cast %reduce_max3A_31 : vector<2000xf32> to vector<2000x1xf32>
    %sub3A = vector.broadcast %broadcast_in_dim3A : vector<2000x1xf32> to vector<2000x128xf32>
    %sub3A_32 = arith.subf %add3A_30, %sub3A : vector<2000x128xf32>
    %exp3A = math.exp %sub3A_32 : vector<2000x128xf32>
    %sub3A_33 = vector.broadcast %broadcast_in_dim3A : vector<2000x1xf32> to vector<2000x128xf32>
    %sub3A_34 = arith.subf %add3A_30, %sub3A_33 : vector<2000x128xf32>
    %reduce_sum3A = arith.constant dense<0.000000e+00> : vector<2000xf32>
    %reduce_sum3A_35 = vector.multi_reduction <add>, %exp3A, %reduce_sum3A [1] : vector<2000x128xf32> to vector<2000xf32>
    %broadcast_in_dim3A_36 = vector.shape_cast %reduce_sum3A_35 : vector<2000xf32> to vector<2000x1xf32>
    %log3A = math.log %broadcast_in_dim3A_36 : vector<2000x1xf32>
    %sub3A_37 = vector.broadcast %log3A : vector<2000x1xf32> to vector<2000x128xf32>
    %sub3A_38 = arith.subf %sub3A_34, %sub3A_37 : vector<2000x128xf32>
    %swap3A = arith.constant 0 : index
    %swap3A_39 = arith.constant 0 : index
    %swap3A_40 = vector.load %arg7[%swap3A, %swap3A_39] : memref<2000x128xf32, #tpu.memory_space<vmem>>, vector<2000x128xf32>
    tpu.vector_store %arg7[%swap3A, %swap3A_39], %sub3A_38 {strides = array<i32>} : memref<2000x128xf32, #tpu.memory_space<vmem>>, vector<2000x128xf32>,
    return
  }
  func.func @transform_0(%arg0: i32) -> (i32, i32, i32) {
    %c0_i32 = arith.constant 0 : i32
    %c0_i32_0 = arith.constant 0 : i32
    %c0_i32_1 = arith.constant 0 : i32
    return %c0_i32, %arg0, %c0_i32_0 : i32, i32, i32
  }
  func.func @transform_1(%arg0: i32) -> (i32, i32) {
    %c0_i32 = arith.constant 0 : i32
    %c0_i32_0 = arith.constant 0 : i32
    return %arg0, %c0_i32 : i32, i32
  }
  func.func @transform_2(%arg0: i32) -> (i32, i32) {
    %c0_i32 = arith.constant 0 : i32
    %c0_i32_0 = arith.constant 0 : i32
    return %arg0, %c0_i32 : i32, i32
  }
  func.func @transform_3(%arg0: i32) -> (i32, i32) {
    %c0_i32 = arith.constant 0 : i32
    %c0_i32_0 = arith.constant 0 : i32
    %c0_i32_1 = arith.constant 0 : i32
    return %c0_i32, %c0_i32_0 : i32, i32
  }
  func.func @transform_4(%arg0: i32) -> (i32, i32) {
    %c0_i32 = arith.constant 0 : i32
    %c0_i32_0 = arith.constant 0 : i32
    %c0_i32_1 = arith.constant 0 : i32
    return %c0_i32, %c0_i32_0 : i32, i32
  }
  func.func @transform_5(%arg0: i32) -> (i32, i32) {
    %c0_i32 = arith.constant 0 : i32
    %c0_i32_0 = arith.constant 0 : i32
    %c0_i32_1 = arith.constant 0 : i32
    return %c0_i32, %c0_i32_0 : i32, i32
  }
  func.func @transform_6(%arg0: i32) -> (i32, i32) {
    %c0_i32 = arith.constant 0 : i32
    %c0_i32_0 = arith.constant 0 : i32
    return %arg0, %c0_i32 : i32, i32
  }
}

</mosaic_0001>

<sc_bundles>
// kernel: kernel.6.cloned.1.call-start
scs
__scs_entry_jumppad:
0x0: {  	(pc) =	sbr.rel $0x88, $3  }
0x1: {  	(tag) =	ssettag $0x0;
	lr =	simm.s32 $0x1  }
0x2: {  	[smem:$0x3F99] =	sst lr;
	_ =	strace $0xD0000000  }
0x3: {  	_ = 	snop  }
0x4: {  	_ = 	snop  }
0x5: {  	_ = 	snop  }
0x6: {  	_ = 	snop  }
0x7: {  	_ = 	snop  }
__scs_overlays_trampoline_lowered:
0x8: {  	[smem:$0x3FA8] =	sst s0  }
0x9: {  	[smem:$0x3FA9] =	sst s1  }
0xa: {  	[smem:$0x3FAA] =	sst s2  }
0xb: {  	[smem:$0x3FAB] =	sst s3  }
0xc: {  	[smem:$0x3FAC] =	sst s4  }
0xd: {  	[smem:$0x3FAD] =	sst s5  }
0xe: {  	[smem:$0x3FAE] =	sst s6  }
0xf: {  	[smem:$0x3FAF] =	sst s7  }
0x10: {  	[smem:$0x3FB0] =	sst s8  }
0x11: {  	[smem:$0x3FB1] =	sst s9;
	s0 =	simm.s32 @!p0 $0x0  }
0x12: {  	s1 =	sld [smem:$0x3F97];
	s0 =	simm.s32 @p0 $0x1  }
0x13: {  	[smem:$0x3FB2] =	sst s0;
	s0 =	simm.s32 @!p1 $0x0  }
0x14: {  	s2 =	sld [smem:$0x3F96];
	s0 =	simm.s32 @p1 $0x1  }
0x15: {  	[smem:$0x3FB3] =	sst s0;
	s0 =	simm.s32 @!p2 $0x0  }
0x16: {  	s3 =	sld [smem:$0x3FDB];
	s0 =	simm.s32 @p2 $0x1  }
0x17: {  	s4 =	simm.s32 $0x1BF5;
	[smem:$0x3FB5] =	sst s0  }
0x18: {  	s0 =	sld [smem:$0x3F98];
	_ =	swait.ge [sflag:s4], $0x0  }
0x19: {  	s7 =	sld [smem:$0x3F99]  }
0x1a: {  	s8 =	sadd.s32 $0xFFFFE003, lr  }
0x1b: {  	s9 =	sadd.s32 $0xFFFFFEF7, lr;
	s5 =	simm.s32 $0xFFFFFFFF;
	p2 =	slt.u32 s8, $0xFFFFF086  }
0x1c: {  	p1 =	slt.u32 s9, $0xF7A;
	s5 =	simm.s32 @!p2 $0x0  }
0x1d: {  	s5 =	simm.s32 @p1 $0x1;
	p0 =	seq.s32 s7, s2  }
0x1e: {  	s7 =	smul.u32 @!p0 $0xF7A, s2;
	p2 =	seq.s32 @!p0 s5, $0x0  }
0x1f: {  	s9 =	smul.u32 $0xF7A, s1;
	s8 =	simm.s32 @!p0 $0x1BF5;
	p2 =	por !p2, p0  }
0x20: {  	[sflag:s8] =	ssyncset.s32 @!p0 $0xFFFFF086;
	s6 =	sadd.s32 @!p0 s3, s7;
	s7 =	simm.s32 @!p0 $0x108  }
0x21: {  	s3 =	sadd.s32 s3, s9;
	s6 =	sadd.s32 @!p0 $0x88, s6;
	s7 =	simm.s32 @p2 $0x1082  }
0x22: {  	[simem:s7], [sflag:s8] =	dma.local @!p0 [hbm:s6], $0xF7A  }
0x23: {  	s9 =	sor.u32 $0xD0000000, s2;
	s6 =	simm.s32 $0x108;
	_ =	swait.ge @!p0 [sflag:s8], $0x0  }
0x24: {  	s3 =	sadd.s32 $0x88, s3;
	s6 =	simm.s32 @!p1 $0x1082;
	[sflag:s4] =	ssyncset.s32 $0xFFFFF086  }
0x25: {  	[simem:s6], [sflag:s4] =	dma.local [hbm:s3], $0xF7A  }
0x26: {  	[smem:$0x3F99] =	sst s1;
	(tag) =	ssettag s2;
	_ =	strace s9  }
0x27: {  	s1 =	sld [smem:$0x3FA9]  }
0x28: {  	s2 =	sld [smem:$0x3FAA]  }
0x29: {  	s4 =	sld [smem:$0x3FAC]  }
0x2a: {  	p0 =	seq.s32 s5, $0x0;
	s5 =	sld [smem:$0x3FAD]  }
0x2b: {  	s6 =	sld [smem:$0x3FAE]  }
0x2c: {  	s7 =	sld [smem:$0x3FAF]  }
0x2d: {  	s3 =	simm.s32 $0x108;
	s8 =	sld [smem:$0x3FB0]  }
0x2e: {  	s3 =	simm.s32 @!p0 $0x1082;
	s9 =	sld [smem:$0x3FB1]  }
0x2f: {  	lr =	sadd.s32 s0, s3;
	s0 =	sld [smem:$0x3FA8]  }
0x30: {  	s3 =	sld [smem:$0x3FAB]  }
0x31: {  	[smem:$0x3FB4] =	sst s10  }
0x32: {  	s10 =	sld [smem:$0x3FB2];
	_ =	sdelay $0x3  }
0x33: {  	p0 =	seq.s32 s10, $0x1;
	s10 =	sld [smem:$0x3FB4];
	_ =	sdelay $0x3  }
0x34: {  	[smem:$0x3FB4] =	sst s10  }
0x35: {  	s10 =	sld [smem:$0x3FB3];
	_ =	sdelay $0x3  }
0x36: {  	p1 =	seq.s32 s10, $0x1;
	s10 =	sld [smem:$0x3FB4];
	_ =	sdelay $0x3  }
0x37: {  	[smem:$0x3FB4] =	sst s10  }
0x38: {  	s10 =	sld [smem:$0x3FB5]  }
0x39: {  	_ = 	snop;
	(pc) =	sbr.ind lr, $3  }
0x3a: {  	_ = 	snop  }
0x3b: {  	_ = 	snop  }
0x3c: {  	p2 =	seq.s32 s10, $0x1;
	s10 =	sld [smem:$0x3FB4]  }
0x3d: {  	_ =	shalt  }
0x3e: {  	_ =	shalt  }
0x3f: {  	_ =	shalt  }
0x40: {  	_ =	shalt  }
0x41: {  	_ =	shalt  }
0x42: {  	_ =	shalt  }
0x43: {  	_ =	shalt  }
0x44: {  	_ =	shalt  }
0x45: {  	_ =	shalt  }
0x46: {  	_ =	shalt  }
0x47: {  	_ =	shalt  }
0x48: {  	_ =	shalt  }
0x49: {  	_ =	shalt  }
0x4a: {  	_ =	shalt  }
0x4b: {  	_ =	shalt  }
0x4c: {  	_ =	shalt  }
0x4d: {  	_ =	shalt  }
0x4e: {  	_ =	shalt  }
0x4f: {  	_ =	shalt  }
0x50: {  	_ =	shalt  }
0x51: {  	_ =	shalt  }
0x52: {  	_ =	shalt  }
0x53: {  	_ =	shalt  }
0x54: {  	_ =	shalt  }
0x55: {  	_ =	shalt  }
0x56: {  	_ =	shalt  }
0x57: {  	_ =	shalt  }
0x58: {  	_ =	shalt  }
0x59: {  	_ =	shalt  }
0x5a: {  	_ =	shalt  }
0x5b: {  	_ =	shalt  }
0x5c: {  	_ =	shalt  }
0x5d: {  	_ =	shalt  }
0x5e: {  	_ =	shalt  }
0x5f: {  	_ =	shalt  }
0x60: {  	_ =	shalt  }
0x61: {  	_ =	shalt  }
0x62: {  	_ =	shalt  }
0x63: {  	_ =	shalt  }
0x64: {  	_ =	shalt  }
0x65: {  	_ =	shalt  }
0x66: {  	_ =	shalt  }
0x67: {  	_ =	shalt  }
0x68: {  	_ =	shalt  }
0x69: {  	_ =	shalt  }
0x6a: {  	_ =	shalt  }
0x6b: {  	_ =	shalt  }
0x6c: {  	_ =	shalt  }
0x6d: {  	_ =	shalt  }
0x6e: {  	_ =	shalt  }
0x6f: {  	_ =	shalt  }
0x70: {  	_ =	shalt  }
0x71: {  	_ =	shalt  }
0x72: {  	_ =	shalt  }
0x73: {  	_ =	shalt  }
0x74: {  	_ =	shalt  }
0x75: {  	_ =	shalt  }
0x76: {  	_ =	shalt  }
0x77: {  	_ =	shalt  }
0x78: {  	_ =	shalt  }
0x79: {  	_ =	shalt  }
0x7a: {  	_ =	shalt  }
0x7b: {  	_ =	shalt  }
0x7c: {  	_ =	shalt  }
0x7d: {  	_ =	shalt  }
0x7e: {  	_ =	shalt  }
0x7f: {  	_ =	shalt  }
0x80: {  	_ =	shalt  }
0x81: {  	_ =	shalt  }
0x82: {  	_ =	shalt  }
0x83: {  	_ =	shalt  }
0x84: {  	_ =	shalt  }
0x85: {  	_ =	shalt  }
0x86: {  	_ =	shalt  }
0x87: {  	_ =	shalt  }
.Lfunc_end0:
.L_simem_size_0:
called_computation_lowered:
.L_overlay_start_0:
0x88: {  	s2 =	sld [smem:$0x3FD9]  }
0x89: {  	s3 =	sld [smem:$0x3FFE];
	_ =	sdelay $0x1  }
0x8a: {  	s1 =	srdreg.scid  }
0x8b: {  	s0 =	sand.u32 $0x1, s1  }
0x8c: {  	s17 =	sshll.u32 s0, $0xA;
	s2 =	sadd.s32 s3, s2  }
0x8d: {  	s2 =	sadd.s32 s2, s17  }
0x8e: {  	[smem:$0x3FC0] =	sst s2  }
0x8f: {  	_ = 	snop  }
0x90: {  	s2 =	sld [smem:$0x3FD0];
	(tm) =	ssettm $0x1  }
0x91: {  	s18 =	sld [smem:$0x3FFB];
	_ =	sdelay $0x3  }
0x92: {  	_ =	strace s18  }
0x93: {  	s3 =	sld [smem:$0x3FFC];
	_ =	sdelay $0x3  }
0x94: {  	_ =	strace s3  }
0x95: {  	s3 =	sld [smem:$0x3FFD];
	_ =	sdelay $0x3  }
0x96: {  	_ =	strace s3  }
0x97: {  	_ =	strace $0x8FFFFFFF  }
0x98: {  	s19 =	sld [smem:$0x3FDB];
	_ =	sdelay $0x1  }
0x99: {  	s4 =	simm.s32 $_scs_section_size  }
0x9a: {  	s5 =	simm.s32 $_size__tile_overlayer_lowered;
	s6 =	simm.s32 $_tile_overlayer_lowered  }
0x9b: {  	s22 =	simm.s32 $0x1BFF;
	s21 =	sshll.u32 s6, $0x1;
	s3 =	sadd.s32 s4, s19  }
0x9c: {  	s7 =	simm.s32 $0x0;
	s20 =	sshll.u32 s5, $0x1;
	s5 =	sadd.s32 s21, s3  }
0x9d: {  	[timem:s7], [sflag:s22] =	dma.local [hbm:s5], s20  }
0x9e: {  	_ =	swait.ge [sflag:s22], s20  }
0x9f: {  	s4 =	ssub.s32 $0x0, s20;
	[sflag:s22] =	ssyncset.done $0x0  }
0xa0: {  	[sflag:s22] =	ssyncadd.s32 s4;
	_ =	sdelay $0x1  }
0xa1: {  	s23 =	simm.s32 $0x1B8B  }
0xa2: {  	_ =	swait.ge [sflag:s23], $0x1  }
0xa3: {  	[sflag:s23] =	ssyncset.done $0x0  }
0xa4: {  	s25 =	simm.s32 $0x1B8E;
	s24 =	sld [smem:$0x3FFE];
	[sflag:s23] =	ssyncadd.s32 $0xFFFFFFFF  }
0xa5: {  	s26 =	simm.s32 $execute0_lowered;
	[smem:$0x3FD2] =	sst s25  }
0xa6: {  	s5 =	sshll.u32 s26, $0x1;
	_ =	strace $0x80000046;
	[dreg:$0x1] =	wrdreg $0xFFFFFFFF  }
0xa7: {  	s28 =	simm.s32 $_size_execute0_lowered;
	s3 =	sadd.s32 s3, s5;
	[dreg:$0x0] =	wrdreg $0x0  }
0xa8: {  	s5 =	sshll.u32 s28, $0x1;
	[dreg:$0x2] =	wrdreg s3  }
0xa9: {  	[dreg:$0x3] =	wrdreg s5  }
0xaa: {  	[dreg:$0x4] =	wrdreg $0xC0  }
0xab: {  	_ =	task [dreg:s7], $0x5FFFF  }
0xac: {  	[dreg:$0x1] =	wrdreg $0xFFFFFFFF  }
0xad: {  	[dreg:$0x0] =	wrdreg $0x60  }
0xae: {  	[dreg:$0x2] =	wrdreg s2  }
0xaf: {  	[dreg:$0x3] =	wrdreg s24  }
0xb0: {  	[dreg:$0x4] =	wrdreg $0xB7200  }
0xb1: {  	[dreg:$0x5] =	wrdreg $0x106200  }
0xb2: {  	[dreg:$0x6] =	wrdreg $0x9  }
0xb3: {  	_ =	task.clear_ibuf [dreg:s7], $0x7FFFF;
	_ =	strace $0x90000046  }
0xb4: {  	s29 =	simm.s32 $0x9;
	_ =	strace $0x80000048  }
0xb5: {  	_ =	swait.ge [sflag:s29], $0x1  }
0xb6: {  	[sflag:s29] =	ssyncadd.s32 $0xFFFFFFFF  }
0xb7: {  	_ =	strace $0x90000048  }
0xb8: {  	_ =	sfence  }
0xb9: {  	s30 =	sld [smem:$0x0];
	_ =	sdelay $0x2  }
0xba: {  	s31 =	sshll.u32 s1, $0xD;
	s1 =	sshrl.u32 s1, $0x2  }
0xbb: {  	s3 =	sand.u32 $0x4000, s31;
	s1 =	sadd.s32 s1, s30  }
0xbc: {  	s0 =	sor.u32 s3, s0;
	s1 =	sshll.u32 s1, $0x11  }
0xbd: {  	s0 =	sor.u32 s1, s0  }
0xbe: {  	s0 =	sadd.s32 $0x8F2B, s0  }
0xbf: {  	[sflag:s0] =	ssyncadd.remote.s32 $0x1  }
0xc0: {  	_ =	sfence.sel $0xFFFF  }
0xc1: {  	[dreg:$0x0] =	wrdreg $0xFFFFFFFF;
	(pc) =	sbr.abs _section_cstart, $3  }
0xc2: {  	[dreg:$0x1] =	wrdreg $0xFFFFFFFF  }
0xc3: {  	_ =	task.clear_ibuf [dreg:s7], $0x2FFFF;
	_ =	strace $0x9FFFFFFF  }
0xc4: {  	(tm) =	ssettm $0x7FFFFFFF  }
0xc5: {  	_ =	shalt  }
tec
execute0_lowered:
.L_overlay_start_1:
0x0: {  	(tag) =	ssettag $0x1  }
0x1: {  	s1 =	rddreg [dreg:$0x0]  }
0x2: {  	s0 =	rddreg [dreg:$0x1]  }
0x3: {  	s2 =	srdreg.scid;
	s3 =	rddreg [dreg:$0x2]  }
0x4: {  	s15 =	stileid.u32;
	s4 =	rddreg [dreg:$0x3]  }
0x5: {  	s16 =	simm.s32 $0x4;
	s18 =	simm.s32 $0xB220;
	s19 =	simm.s32 $0x50  }
0x6: {  	s28 =	simm.s32 $0x7620;
	s29 =	simm.s32 $0x3;
	s7 =	smul.u32 $0x4F00, s15  }
0x7: {  	s30 =	simm.s32 $0x1;
	s2 =	sand.u32 $0x1, s2;
	s9 =	smul.u32 $0x2780, s15  }
0x8: {  	s31 =	simm.s32 $0x2;
	s5 =	sshll.u32 s15, $0x1;
	s8 =	smul.u32 $0x4F000, s2  }
0x9: {  	s25 =	sshll.u32 s15, $0x6;
	s6 =	sor.u32 s2, s5;
	s12 =	smul.u32 $0x27800, s2  }
0xa: {  	s5 =	simm.s32 $0x0;
	s2 =	ssub.s32 $0x2, s2;
	s6 =	smul.u32 $0x2710, s6  }
0xb: {  	[smem:$0x7FF] =	sst s5;
	s21 =	sshrl.u32 s7, $0x3;
	s22 =	sshrl.u32 s9, $0x3  }
0xc: {  	s24 =	sshrl.u32 s2, $0x1;
	s26 =	sadd.s32 s7, s3;
	s17 =	sadd.s32 s9, s4  }
0xd: {  	_ =	strace $0x80000047;
	s10 =	sadd.s32 s21, s0;
	s13 =	sadd.s32 s22, s0  }
0xe: {  	s8 =	sadd.s32 s7, s8;
	s12 =	sadd.s32 s9, s12;
	s2 =	ssub.s32 s2, s24  }
0xf: {  	s15 =	sshrl.u32 s26, $0x3;
	s17 =	sshrl.u32 s17, $0x3;
	s24 =	simm.s32 $0xF0  }
0x10: {  	s26 =	simm.s32 $0x140;
	s6 =	sshrl.u32 s6, $0x3;
	s8 =	sshrl.u32 s8, $0x3  }
0x11: {  	s23 =	sshrl.u32 s12, $0x3;
	s7 =	sadd.s32 $0x1AA00, s10;
	s9 =	sadd.s32 $0x15A00, s13  }
0x12: {  	s11 =	sadd.s32 s6, s0;
	s6 =	sadd.s32 $0x15800, s0;
	s14 =	sadd.s32 s8, s0  }
0x13: {  	s0 =	sadd.s32 s23, s0;
	s8 =	sor.u32 $0x1C04, s25;
	s25 =	simm.s32 $0x6C20  }
0x14: {  	s10 =	sadd.s32 $0x1E00, s11;
	s11 =	sadd.s32 $0xBA40, s11;
	s12 =	sadd.s32 $0x24800, s14  }
0x15: {  	s13 =	sadd.s32 $0x38400, s0;
	s14 =	smax.u32 s2, $0x1;
	s2 =	simm.s32 $0x0  }
.LBB2_1:
0x16: {  	[spmem:s15], [sflag:s8] =	dma.local [hbm:s7], $0x9E0  }
0x17: {  	_ =	swait.ge [sflag:s16], $0x9E0  }
0x18: {  	[sflag:s16] =	ssyncset.done $0x0  }
0x19: {  	[sflag:s16] =	ssyncadd.s32 $0xFFFFF620  }
0x1a: {  	[spmem:s17], [sflag:s8] =	dma.local [hbm:s9], $0x4F0  }
0x1b: {  	_ =	swait.ge [sflag:s16], $0x4F0  }
0x1c: {  	[sflag:s16] =	ssyncset.done $0x0  }
0x1d: {  	[sflag:s16] =	ssyncadd.s32 $0xFFFFFB10  }
0x1e: {  	[tilespmem:s18], [sflag:$0x4] =	stream.linear.gather [hbm4b:s6+s5], $0x500, $0x38;
	[tilespmem:$0x12DA0] =	vst v63  }
0x1f: {  	_ =	swait.ge [sflag:s16], $0x500  }
0x20: {  	[sflag:s16] =	ssyncset.done $0x0  }
0x21: {  	[sflag:s16] =	ssyncadd.s32 $0xFFFFFB00  }
0x22: {  	[tilespmem:s5], [sflag:$0x4] =	stream.linear.gather [hbm4b:s10+s5], $0x2710, $0x38;
	[tilespmem:$0x12DA0] =	vst v63  }
0x23: {  	_ =	swait.ge [sflag:s16], $0x2710  }
0x24: {  	[sflag:s16] =	ssyncset.done $0x0  }
0x25: {  	s0 =	simm.s32 $0x2710;
	[sflag:s16] =	ssyncadd.s32 $0xFFFFD8F0  }
0x26: {  	[tilespmem:s0], [sflag:$0x4] =	stream.linear.gather [hbm4b:s11+s5], $0x2710, $0x38;
	[tilespmem:$0x12DA0] =	vst v63  }
0x27: {  	_ =	swait.ge [sflag:s16], $0x2710  }
0x28: {  	[sflag:s16] =	ssyncset.done $0x0  }
0x29: {  	[sflag:s16] =	ssyncadd.s32 $0xFFFFD8F0  }
0x2a: {  	s20 =	simm.s32 $0x4E20;
	[bflag:$0x0] =	sbarrier.arrive $0xFFFF  }
0x2b: {  	[tilespmem:s20], [sflag:$0x1] =	stream.indirect.gather [hbm4b:s1+s19], $0x20, s5, s19, $0xb8;
	[tilespmem:$0x12DA0] =	vst v63  }
0x2c: {  	s22 =	simm.s32 $0x5820  }
0x2d: {  	[tilespmem:s22], [sflag:$0x1] =	stream.indirect.gather [hbm4b:s1+s19], $0x20, s19, s19, $0xb8;
	[tilespmem:$0x12DA0] =	vst v63  }
0x2e: {  	s23 =	simm.s32 $0xA0;
	s21 =	simm.s32 $0x6220  }
0x2f: {  	[tilespmem:s21], [sflag:$0x1] =	stream.indirect.gather [hbm4b:s1+s19], $0x20, s23, s19, $0xb8;
	[tilespmem:$0x12DA0] =	vst v63  }
0x30: {  	_ = 	snop  }
0x31: {  	[tilespmem:s25], [sflag:$0x1] =	stream.indirect.gather [hbm4b:s1+s19], $0x20, s24, s19, $0xb8;
	[tilespmem:$0x12DA0] =	vst v63  }
0x32: {  	s20 =	simm.s32 $0x190;
	s21 =	simm.s32 $0x0  }
0x33: {  	[tilespmem:s28], [sflag:$0x1] =	stream.indirect.gather [hbm4b:s1+s19], $0x20, s26, s19, $0xb8;
	[tilespmem:$0x12DA0] =	vst v63  }
.LBB2_2:
0x34: {  	p0 =	sgt.u32 s21, $0x77  }
0x35: {  	s22 =	sadd.s32 @!p0 $0x5, s21  }
0x36: {  	s23 =	smul.u32 @!p0 $0xCD, s22;
	_ =	sdelay $0x1  }
0x37: {  	s23 =	sshrl.u32 @!p0 s23, $0xB  }
0x38: {  	s23 =	sand.u32 @!p0 $0x1F, s23  }
0x39: {  	s23 =	smul.u32 @!p0 $0xA, s23;
	_ =	sdelay $0x1  }
0x3a: {  	s22 =	ssub.s32 @!p0 s22, s23  }
0x3b: {  	s22 =	sand.u32 @!p0 $0xFF, s22  }
0x3c: {  	s22 =	smul.u32 @!p0 $0x2800, s22;
	_ =	sdelay $0x1  }
0x3d: {  	s22 =	sshrl.u32 @!p0 s22, $0x2  }
0x3e: {  	s23 =	simm.s32 @!p0 $0x50;
	s22 =	sadd.s32 @!p0 $0x4E20, s22  }
0x3f: {  	[tilespmem:s22], [sflag:$0x1] =	stream.indirect.gather @!p0 [hbm4b:s1+s23], $0x20, s20, s23, $0xb8;
	[tilespmem:$0x12DA0] =	vst v63  }
0x40: {  	p1 =	slt.u32 @!p0 s21, $0x4;
	s23 =	smul.u32 $0xCD, s21  }
0x41: {  	p0 =	por p0, !p1  }
0x42: {  	_ =	swait.ge @p0 [sflag:s29], $0xA00;
	s22 =	sshrl.u32 s23, $0xB  }
0x43: {  	[sflag:s29] =	ssyncset.done @p0 $0x0;
	s22 =	sand.u32 $0x1F, s22  }
0x44: {  	[sflag:s29] =	ssyncadd.s32 @p0 $0xFFFFF600;
	s22 =	smul.u32 $0xA, s22  }
0x45: {  	_ =	swait.ge [sflag:s30], $0xA00  }
0x46: {  	[sflag:s30] =	ssyncset.done $0x0;
	s22 =	ssub.s32 s21, s22  }
0x47: {  	[sflag:s30] =	ssyncadd.s32 $0xFFFFF600;
	s21 =	sadd.s32 $0x1, s21;
	s22 =	sand.u32 $0xFF, s22  }
0x48: {  	[spmem:s4] =	stream.indirect.scatter.add.f32 [tilespmem:s18], [sflag:$0x2], $0x10, s0, s19, $0xb8;
	[tilespmem:$0x12DA0] =	vst v63  }
0x49: {  	p0 =	sne.s32 s21, $0x7D;
	s22 =	smul.u32 $0x2800, s22  }
.Ltmp0:
0x4a: {  	_ = 	snop;
	(pc) =	sbr.rel @p0 .LBB2_2-.Ltmp0, $4  }
0x4b: {  	s22 =	sshrl.u32 s22, $0x2  }
0x4c: {  	s22 =	sadd.s32 $0x4E20, s22  }
0x4d: {  	[spmem:s3] =	stream.indirect.scatter.add.f32 [tilespmem:s22], [sflag:$0x3], $0x20, s0, s19, $0xb8;
	[tilespmem:$0x12DA0] =	vst v63  }
0x4e: {  	s20 =	sadd.s32 $0x50, s20;
	s0 =	sadd.s32 $0x50, s0  }
0x4f: {  	_ =	swait.ge [sflag:s29], $0xA00  }
0x50: {  	[sflag:s29] =	ssyncset.done $0x0  }
0x51: {  	[sflag:s29] =	ssyncadd.s32 $0xFFFFF600  }
0x52: {  	_ =	swait.ge [sflag:s29], $0xA00  }
0x53: {  	[sflag:s29] =	ssyncset.done $0x0  }
0x54: {  	[sflag:s29] =	ssyncadd.s32 $0xFFFFF600  }
0x55: {  	_ =	swait.ge [sflag:s29], $0xA00  }
0x56: {  	[sflag:s29] =	ssyncset.done $0x0  }
0x57: {  	[sflag:s29] =	ssyncadd.s32 $0xFFFFF600  }
0x58: {  	_ =	swait.ge [sflag:s29], $0xA00  }
0x59: {  	[sflag:s29] =	ssyncset.done $0x0  }
0x5a: {  	[sflag:s29] =	ssyncadd.s32 $0xFFFFF600  }
0x5b: {  	_ =	swait.ge [sflag:s31], $0x500  }
0x5c: {  	s0 =	simm.s32 $0x7C;
	[sflag:s31] =	ssyncset.done $0x0  }
.LBB2_4:
0x5d: {  	p0 =	sne.s32 s0, $0x1;
	s0 =	sadd.s32 $0xFFFFFFFF, s0;
	[sflag:s31] =	ssyncadd.s32 $0xFFFFFB00  }
.Ltmp1:
0x5e: {  	(pc) =	sbr.rel @p0 .LBB2_4-.Ltmp1, $3  }
0x5f: {  	_ =	sdelay $0x1  }
0x60: {  	_ =	swait.ge [sflag:s31], $0x500  }
0x61: {  	[sflag:s31] =	ssyncset.done $0x0  }
0x62: {  	[sflag:s31] =	ssyncadd.s32 $0xFFFFFB00  }
0x63: {  	[bflag:$0x0] =	sbarrier.arrive $0xFFFF  }
0x64: {  	[hbm:s12], [sflag:s8] =	dma.local [spmem:s15], $0x9E0  }
0x65: {  	s2 =	sadd.s32 $0x1, s2;
	_ =	swait.ge [sflag:s16], $0x9E0  }
0x66: {  	p0 =	sne.s32 s2, s14;
	[sflag:s16] =	ssyncset.done $0x0  }
.Ltmp2:
0x67: {  	[sflag:s16] =	ssyncadd.s32 $0xFFFFF620;
	(pc) =	sbr.rel @p0 .LBB2_1-.Ltmp2, $4  }
0x68: {  	[hbm:s13], [sflag:s8] =	dma.local [spmem:s17], $0x4F0  }
0x69: {  	_ =	swait.ge [sflag:s16], $0x4F0  }
0x6a: {  	[sflag:s16] =	ssyncset.done $0x0  }
0x6b: {  	[sflag:s16] =	ssyncadd.s32 $0xFFFFFB10  }
0x6c: {  	_ =	sfence.sel $0x180000  }
0x6d: {  	[bflag:$0x0] =	sbarrier.arrive $0xFFFF  }
0x6e: {  	_ =	strace $0x90000047  }
0x6f: {  	s0 =	stileid.u32;
	[bflag:$0x2] =	sbarrier.arrive $0xFFFF  }
0x70: {  	p0 =	sne.s32 s0, $0x0;
	s0 =	rddreg [dreg:$0x4]  }
0x71: {  	s0 =	sadd.s32 @!p0 $0x100000, s0  }
0x72: {  	[sflag:s0] =	ssyncadd.tile.s32 @!p0 $0x1;
	_ =	shalt  }
.Lfunc_end2:
_tile_overlayer_lowered:
.L_overlay_start_2:
0x73: {  	(tag) =	ssettag $0x2  }
0x74: {  	s0 =	rddreg [dreg:$0x0];
	s2 =	stileid.u32  }
0x75: {  	s1 =	rddreg [dreg:$0x1];
	p0 =	sne.s32 s2, $0x0  }
0x76: {  	s3 =	rddreg [dreg:$0x2];
	[bflag:$0x3] =	sbarrier.arrive $0xFFFF;
	s2 =	simm.s32 @!p0 $0x1C04  }
0x77: {  	[timem:s3], [sflag:s2] =	dma.local @!p0 [hbm:s0], s1  }
0x78: {  	s0 =	simm.s32 @!p0 $0x4  }
0x79: {  	_ =	swait.ge @!p0 [sflag:s0], s1  }
0x7a: {  	s1 =	ssub.s32 @!p0 $0x0, s1;
	[sflag:s0] =	ssyncset.done @!p0 $0x0  }
0x7b: {  	[sflag:s0] =	ssyncadd.s32 @!p0 s1  }
0x7c: {  	[bflag:$0x3] =	sbarrier.arrive $0xFFFF  }
0x7d: {  	_ =	shalt  }

// kernel: kernel.9.cloned.1.call-start
scs
__scs_entry_jumppad:
0x0: {  	(pc) =	sbr.rel $0x88, $3  }
0x1: {  	(tag) =	ssettag $0x0;
	lr =	simm.s32 $0x1  }
0x2: {  	[smem:$0x3F99] =	sst lr;
	_ =	strace $0xD0000000  }
0x3: {  	_ = 	snop  }
0x4: {  	_ = 	snop  }
0x5: {  	_ = 	snop  }
0x6: {  	_ = 	snop  }
0x7: {  	_ = 	snop  }
__scs_overlays_trampoline_lowered:
0x8: {  	[smem:$0x3FA8] =	sst s0  }
0x9: {  	[smem:$0x3FA9] =	sst s1  }
0xa: {  	[smem:$0x3FAA] =	sst s2  }
0xb: {  	[smem:$0x3FAB] =	sst s3  }
0xc: {  	[smem:$0x3FAC] =	sst s4  }
0xd: {  	[smem:$0x3FAD] =	sst s5  }
0xe: {  	[smem:$0x3FAE] =	sst s6  }
0xf: {  	[smem:$0x3FAF] =	sst s7  }
0x10: {  	[smem:$0x3FB0] =	sst s8  }
0x11: {  	[smem:$0x3FB1] =	sst s9;
	s0 =	simm.s32 @!p0 $0x0  }
0x12: {  	s1 =	sld [smem:$0x3F97];
	s0 =	simm.s32 @p0 $0x1  }
0x13: {  	[smem:$0x3FB2] =	sst s0;
	s0 =	simm.s32 @!p1 $0x0  }
0x14: {  	s2 =	sld [smem:$0x3F96];
	s0 =	simm.s32 @p1 $0x1  }
0x15: {  	[smem:$0x3FB3] =	sst s0;
	s0 =	simm.s32 @!p2 $0x0  }
0x16: {  	s3 =	sld [smem:$0x3FDB];
	s0 =	simm.s32 @p2 $0x1  }
0x17: {  	s4 =	simm.s32 $0x1BF5;
	[smem:$0x3FB5] =	sst s0  }
0x18: {  	s0 =	sld [smem:$0x3F98];
	_ =	swait.ge [sflag:s4], $0x0  }
0x19: {  	s7 =	sld [smem:$0x3F99]  }
0x1a: {  	s8 =	sadd.s32 $0xFFFFE003, lr  }
0x1b: {  	s9 =	sadd.s32 $0xFFFFFEF7, lr;
	s5 =	simm.s32 $0xFFFFFFFF;
	p2 =	slt.u32 s8, $0xFFFFF086  }
0x1c: {  	p1 =	slt.u32 s9, $0xF7A;
	s5 =	simm.s32 @!p2 $0x0  }
0x1d: {  	s5 =	simm.s32 @p1 $0x1;
	p0 =	seq.s32 s7, s2  }
0x1e: {  	s7 =	smul.u32 @!p0 $0xF7A, s2;
	p2 =	seq.s32 @!p0 s5, $0x0  }
0x1f: {  	s9 =	smul.u32 $0xF7A, s1;
	s8 =	simm.s32 @!p0 $0x1BF5;
	p2 =	por !p2, p0  }
0x20: {  	[sflag:s8] =	ssyncset.s32 @!p0 $0xFFFFF086;
	s6 =	sadd.s32 @!p0 s3, s7;
	s7 =	simm.s32 @!p0 $0x108  }
0x21: {  	s3 =	sadd.s32 s3, s9;
	s6 =	sadd.s32 @!p0 $0x88, s6;
	s7 =	simm.s32 @p2 $0x1082  }
0x22: {  	[simem:s7], [sflag:s8] =	dma.local @!p0 [hbm:s6], $0xF7A  }
0x23: {  	s9 =	sor.u32 $0xD0000000, s2;
	s6 =	simm.s32 $0x108;
	_ =	swait.ge @!p0 [sflag:s8], $0x0  }
0x24: {  	s3 =	sadd.s32 $0x88, s3;
	s6 =	simm.s32 @!p1 $0x1082;
	[sflag:s4] =	ssyncset.s32 $0xFFFFF086  }
0x25: {  	[simem:s6], [sflag:s4] =	dma.local [hbm:s3], $0xF7A  }
0x26: {  	[smem:$0x3F99] =	sst s1;
	(tag) =	ssettag s2;
	_ =	strace s9  }
0x27: {  	s1 =	sld [smem:$0x3FA9]  }
0x28: {  	s2 =	sld [smem:$0x3FAA]  }
0x29: {  	s4 =	sld [smem:$0x3FAC]  }
0x2a: {  	p0 =	seq.s32 s5, $0x0;
	s5 =	sld [smem:$0x3FAD]  }
0x2b: {  	s6 =	sld [smem:$0x3FAE]  }
0x2c: {  	s7 =	sld [smem:$0x3FAF]  }
0x2d: {  	s3 =	simm.s32 $0x108;
	s8 =	sld [smem:$0x3FB0]  }
0x2e: {  	s3 =	simm.s32 @!p0 $0x1082;
	s9 =	sld [smem:$0x3FB1]  }
0x2f: {  	lr =	sadd.s32 s0, s3;
	s0 =	sld [smem:$0x3FA8]  }
0x30: {  	s3 =	sld [smem:$0x3FAB]  }
0x31: {  	[smem:$0x3FB4] =	sst s10  }
0x32: {  	s10 =	sld [smem:$0x3FB2];
	_ =	sdelay $0x3  }
0x33: {  	p0 =	seq.s32 s10, $0x1;
	s10 =	sld [smem:$0x3FB4];
	_ =	sdelay $0x3  }
0x34: {  	[smem:$0x3FB4] =	sst s10  }
0x35: {  	s10 =	sld [smem:$0x3FB3];
	_ =	sdelay $0x3  }
0x36: {  	p1 =	seq.s32 s10, $0x1;
	s10 =	sld [smem:$0x3FB4];
	_ =	sdelay $0x3  }
0x37: {  	[smem:$0x3FB4] =	sst s10  }
0x38: {  	s10 =	sld [smem:$0x3FB5]  }
0x39: {  	_ = 	snop;
	(pc) =	sbr.ind lr, $3  }
0x3a: {  	_ = 	snop  }
0x3b: {  	_ = 	snop  }
0x3c: {  	p2 =	seq.s32 s10, $0x1;
	s10 =	sld [smem:$0x3FB4]  }
0x3d: {  	_ =	shalt  }
0x3e: {  	_ =	shalt  }
0x3f: {  	_ =	shalt  }
0x40: {  	_ =	shalt  }
0x41: {  	_ =	shalt  }
0x42: {  	_ =	shalt  }
0x43: {  	_ =	shalt  }
0x44: {  	_ =	shalt  }
0x45: {  	_ =	shalt  }
0x46: {  	_ =	shalt  }
0x47: {  	_ =	shalt  }
0x48: {  	_ =	shalt  }
0x49: {  	_ =	shalt  }
0x4a: {  	_ =	shalt  }
0x4b: {  	_ =	shalt  }
0x4c: {  	_ =	shalt  }
0x4d: {  	_ =	shalt  }
0x4e: {  	_ =	shalt  }
0x4f: {  	_ =	shalt  }
0x50: {  	_ =	shalt  }
0x51: {  	_ =	shalt  }
0x52: {  	_ =	shalt  }
0x53: {  	_ =	shalt  }
0x54: {  	_ =	shalt  }
0x55: {  	_ =	shalt  }
0x56: {  	_ =	shalt  }
0x57: {  	_ =	shalt  }
0x58: {  	_ =	shalt  }
0x59: {  	_ =	shalt  }
0x5a: {  	_ =	shalt  }
0x5b: {  	_ =	shalt  }
0x5c: {  	_ =	shalt  }
0x5d: {  	_ =	shalt  }
0x5e: {  	_ =	shalt  }
0x5f: {  	_ =	shalt  }
0x60: {  	_ =	shalt  }
0x61: {  	_ =	shalt  }
0x62: {  	_ =	shalt  }
0x63: {  	_ =	shalt  }
0x64: {  	_ =	shalt  }
0x65: {  	_ =	shalt  }
0x66: {  	_ =	shalt  }
0x67: {  	_ =	shalt  }
0x68: {  	_ =	shalt  }
0x69: {  	_ =	shalt  }
0x6a: {  	_ =	shalt  }
0x6b: {  	_ =	shalt  }
0x6c: {  	_ =	shalt  }
0x6d: {  	_ =	shalt  }
0x6e: {  	_ =	shalt  }
0x6f: {  	_ =	shalt  }
0x70: {  	_ =	shalt  }
0x71: {  	_ =	shalt  }
0x72: {  	_ =	shalt  }
0x73: {  	_ =	shalt  }
0x74: {  	_ =	shalt  }
0x75: {  	_ =	shalt  }
0x76: {  	_ =	shalt  }
0x77: {  	_ =	shalt  }
0x78: {  	_ =	shalt  }
0x79: {  	_ =	shalt  }
0x7a: {  	_ =	shalt  }
0x7b: {  	_ =	shalt  }
0x7c: {  	_ =	shalt  }
0x7d: {  	_ =	shalt  }
0x7e: {  	_ =	shalt  }
0x7f: {  	_ =	shalt  }
0x80: {  	_ =	shalt  }
0x81: {  	_ =	shalt  }
0x82: {  	_ =	shalt  }
0x83: {  	_ =	shalt  }
0x84: {  	_ =	shalt  }
0x85: {  	_ =	shalt  }
0x86: {  	_ =	shalt  }
0x87: {  	_ =	shalt  }
.Lfunc_end0:
.L_simem_size_0:
called_computation.1_lowered:
.L_overlay_start_0:
0x88: {  	s2 =	sld [smem:$0x3FD9]  }
0x89: {  	s3 =	sld [smem:$0x3FFE];
	_ =	sdelay $0x1  }
0x8a: {  	s1 =	srdreg.scid  }
0x8b: {  	s0 =	sand.u32 $0x1, s1  }
0x8c: {  	s17 =	sshll.u32 s0, $0xA;
	s2 =	sadd.s32 s3, s2  }
0x8d: {  	s2 =	sadd.s32 s2, s17  }
0x8e: {  	[smem:$0x3FC0] =	sst s2  }
0x8f: {  	_ = 	snop  }
0x90: {  	s2 =	sld [smem:$0x3FC6]  }
0x91: {  	s18 =	sld [smem:$0x3FD0];
	(tm) =	ssettm $0x1  }
0x92: {  	s4 =	sld [smem:$0x3FFB];
	_ =	sdelay $0x3  }
0x93: {  	_ =	strace s4  }
0x94: {  	s4 =	sld [smem:$0x3FFC];
	_ =	sdelay $0x3  }
0x95: {  	_ =	strace s4  }
0x96: {  	s4 =	sld [smem:$0x3FFD];
	_ =	sdelay $0x3  }
0x97: {  	_ =	strace s4  }
0x98: {  	_ =	strace $0x8FFFFFFF  }
0x99: {  	s19 =	sld [smem:$0x3FDB];
	_ =	sdelay $0x1  }
0x9a: {  	s5 =	simm.s32 $_scs_section_size  }
0x9b: {  	s6 =	simm.s32 $_size__tile_overlayer_lowered;
	s7 =	simm.s32 $_tile_overlayer_lowered  }
0x9c: {  	s22 =	simm.s32 $0x1BFF;
	s21 =	sshll.u32 s7, $0x1;
	s4 =	sadd.s32 s5, s19  }
0x9d: {  	s8 =	simm.s32 $0x0;
	s20 =	sshll.u32 s6, $0x1;
	s6 =	sadd.s32 s21, s4  }
0x9e: {  	[timem:s8], [sflag:s22] =	dma.local [hbm:s6], s20  }
0x9f: {  	_ =	swait.ge [sflag:s22], s20  }
0xa0: {  	s5 =	ssub.s32 $0x0, s20;
	[sflag:s22] =	ssyncset.done $0x0  }
0xa1: {  	[sflag:s22] =	ssyncadd.s32 s5;
	_ =	sdelay $0x1  }
0xa2: {  	s23 =	simm.s32 $0x1B8B  }
0xa3: {  	_ =	swait.ge [sflag:s23], $0x1  }
0xa4: {  	[sflag:s23] =	ssyncset.done $0x0  }
0xa5: {  	s25 =	simm.s32 $0x1B8E;
	s24 =	sld [smem:$0x3FFE];
	[sflag:s23] =	ssyncadd.s32 $0xFFFFFFFF  }
0xa6: {  	s26 =	simm.s32 $execute0_lowered;
	[smem:$0x3FD2] =	sst s25  }
0xa7: {  	s6 =	sshll.u32 s26, $0x1;
	_ =	strace $0x80000049;
	[dreg:$0x1] =	wrdreg $0xFFFFFFFF  }
0xa8: {  	s28 =	simm.s32 $_size_execute0_lowered;
	s4 =	sadd.s32 s4, s6;
	[dreg:$0x0] =	wrdreg $0x0  }
0xa9: {  	s6 =	sshll.u32 s28, $0x1;
	[dreg:$0x2] =	wrdreg s4  }
0xaa: {  	[dreg:$0x3] =	wrdreg s6  }
0xab: {  	[dreg:$0x4] =	wrdreg $0xC0  }
0xac: {  	_ =	task [dreg:s8], $0x5FFFF  }
0xad: {  	[dreg:$0x1] =	wrdreg $0xFFFFFFFF  }
0xae: {  	[dreg:$0x0] =	wrdreg $0x60  }
0xaf: {  	[dreg:$0x2] =	wrdreg s24  }
0xb0: {  	[dreg:$0x3] =	wrdreg s2  }
0xb1: {  	[dreg:$0x4] =	wrdreg s18  }
0xb2: {  	[dreg:$0x5] =	wrdreg $0x1A1400  }
0xb3: {  	[dreg:$0x6] =	wrdreg $0x152400  }
0xb4: {  	[dreg:$0x7] =	wrdreg $0x9  }
0xb5: {  	_ =	task.clear_ibuf [dreg:s8], $0x8FFFF;
	_ =	strace $0x90000049  }
0xb6: {  	s29 =	simm.s32 $0x9;
	_ =	strace $0x8000004B  }
0xb7: {  	_ =	swait.ge [sflag:s29], $0x1  }
0xb8: {  	[sflag:s29] =	ssyncadd.s32 $0xFFFFFFFF  }
0xb9: {  	_ =	strace $0x9000004B  }
0xba: {  	_ =	sfence  }
0xbb: {  	s30 =	sld [smem:$0x0];
	_ =	sdelay $0x2  }
0xbc: {  	s31 =	sshll.u32 s1, $0xD;
	s1 =	sshrl.u32 s1, $0x2  }
0xbd: {  	s3 =	sand.u32 $0x4000, s31;
	s1 =	sadd.s32 s1, s30  }
0xbe: {  	s0 =	sor.u32 s3, s0;
	s1 =	sshll.u32 s1, $0x11  }
0xbf: {  	s0 =	sor.u32 s1, s0  }
0xc0: {  	s0 =	sadd.s32 $0x8F2B, s0  }
0xc1: {  	[sflag:s0] =	ssyncadd.remote.s32 $0x1  }
0xc2: {  	_ =	sfence.sel $0xFFFF  }
0xc3: {  	[dreg:$0x0] =	wrdreg $0xFFFFFFFF;
	(pc) =	sbr.abs _section_cstart, $3  }
0xc4: {  	[dreg:$0x1] =	wrdreg $0xFFFFFFFF  }
0xc5: {  	_ =	task.clear_ibuf [dreg:s8], $0x2FFFF;
	_ =	strace $0x9FFFFFFF  }
0xc6: {  	(tm) =	ssettm $0x7FFFFFFF  }
0xc7: {  	_ =	shalt  }
tec
execute0_lowered:
.L_overlay_start_1:
0x0: {  	(tag) =	ssettag $0x1  }
0x1: {  	s0 =	rddreg [dreg:$0x0]  }
0x2: {  	s1 =	rddreg [dreg:$0x2]  }
0x3: {  	s3 =	rddreg [dreg:$0x3]  }
0x4: {  	s2 =	srdreg.scid;
	s19 =	stileid.u32  }
0x5: {  	s4 =	rddreg [dreg:$0x4];
	s5 =	simm.s32 $0x0;
	s30 =	simm.s32 $0x4  }
0x6: {  	s31 =	simm.s32 $0x12A20;
	s2 =	sand.u32 $0x1, s2;
	s6 =	sshll.u32 s19, $0x1  }
0x7: {  	[smem:$0x7FF] =	sst s5;
	s7 =	sadd.s32 $0x24800, s0;
	s8 =	smul.u32 $0x4F00, s19  }
0x8: {  	s9 =	sadd.s32 $0x38400, s0;
	s10 =	sadd.s32 $0x42200, s0;
	s13 =	smul.u32 $0x278, s19  }
0x9: {  	s16 =	smul.u32 $0x2780, s19;
	s17 =	sadd.s32 $0x4C000, s0;
	s6 =	sor.u32 s2, s6  }
0xa: {  	_ =	strace $0x8000004A;
	s12 =	ssub.s32 $0x2, s2;
	s24 =	smul.u32 $0x4F000, s2  }
0xb: {  	p0 =	sne.s32 s2, $0x0;
	s2 =	simm.s32 $0x2;
	s6 =	smul.u32 $0x2710, s6  }
0xc: {  	s11 =	sshrl.u32 s8, $0x3;
	s14 =	sshrl.u32 s12, $0x1;
	s18 =	sshrl.u32 s16, $0x3  }
0xd: {  	s13 =	sadd.s32 $0x140, s13;
	s15 =	sadd.s32 s11, s0;
	s25 =	ssub.s32 s12, s14  }
0xe: {  	s26 =	sadd.s32 s7, s11;
	s20 =	sadd.s32 s10, s11;
	s16 =	sshll.u32 s13, $0x5  }
0xf: {  	s21 =	sshll.u32 s13, $0x2;
	s11 =	sadd.s32 s17, s11;
	[dreg:$0x6] =	wrdreg s20  }
0x10: {  	s6 =	sshrl.u32 s6, $0x3;
	[dreg:$0x7] =	wrdreg s11;
	s22 =	sadd.s32 s7, s21  }
0x11: {  	s23 =	sshrl.u32 s16, $0x3;
	s10 =	sadd.s32 s10, s21;
	s12 =	sadd.s32 s17, s21  }
0x12: {  	s17 =	sshll.u32 s13, $0x1;
	s20 =	sadd.s32 s8, s24;
	s21 =	sadd.s32 s8, s3  }
0x13: {  	s24 =	sshll.u32 s19, $0x6;
	s25 =	smax.u32 s25, $0x1;
	[dreg:$0x8] =	wrdreg s22  }
0x14: {  	s6 =	sadd.s32 s6, s0;
	s0 =	sadd.s32 $0x15800, s0;
	[dreg:$0x9] =	wrdreg s10  }
0x15: {  	s7 =	sadd.s32 s7, s23;
	[dreg:$0xa] =	wrdreg s12;
	s12 =	sadd.s32 s9, s18  }
0x16: {  	s14 =	sadd.s32 s9, s17;
	[dreg:$0xd] =	wrdreg s21;
	s22 =	sshrl.u32 s20, $0x3  }
0x17: {  	s23 =	sadd.s32 $0x1AA00, s15;
	s19 =	sor.u32 $0x1C04, s24;
	s24 =	sadd.s32 s16, s4  }
0x18: {  	s9 =	simm.s32 $0x1;
	s10 =	simm.s32 $0x0;
	s18 =	sadd.s32 s0, s18  }
0x19: {  	s0 =	sadd.s32 s0, s17;
	[dreg:$0xe] =	wrdreg s23;
	s20 =	sadd.s32 $0x1E00, s6  }
0x1a: {  	s21 =	sadd.s32 $0xBA40, s6;
	s23 =	sadd.s32 $0x9E00, s7;
	s28 =	sadd.s32 $0x4F00, s12  }
0x1b: {  	s29 =	sadd.s32 $0x4F00, s14;
	s7 =	simm.s32 $0x50;
	[dreg:$0xb] =	wrdreg s18  }
0x1c: {  	[dreg:$0xc] =	wrdreg s0;
	s0 =	sadd.s32 s1, s22;
	s22 =	sadd.s32 s8, s4  }
0x1d: {  	s18 =	smov.u32 s26;
	s26 =	sadd.s32 $0x9E00, s26;
	s1 =	simm.s32 $0xDA20  }
0x1e: {  	s8 =	simm.s32 $0x3;
	[dreg:$0xf] =	wrdreg s0;
	s0 =	simm.s32 $0xB220  }
.LBB2_1:
0x1f: {  	s6 =	rddreg [dreg:$0xd]  }
0x20: {  	s15 =	rddreg [dreg:$0xe];
	s11 =	sshrl.u32 s6, $0x3  }
0x21: {  	[spmem:s11], [sflag:s19] =	dma.local [hbm:s15], $0x9E0  }
0x22: {  	_ =	swait.ge [sflag:s30], $0x9E0  }
0x23: {  	[sflag:s30] =	ssyncset.done $0x0  }
0x24: {  	[sflag:s30] =	ssyncadd.s32 $0xFFFFF620  }
0x25: {  	[tilespmem:s5], [sflag:$0x4] =	stream.linear.gather [hbm4b:s20+s5], $0x2710, $0x38;
	[tilespmem:$0x1F040] =	vst v63  }
0x26: {  	_ =	swait.ge [sflag:s30], $0x2710  }
0x27: {  	[sflag:s30] =	ssyncset.done $0x0  }
0x28: {  	s16 =	simm.s32 $0x2710;
	[sflag:s30] =	ssyncadd.s32 $0xFFFFD8F0  }
0x29: {  	[tilespmem:s16], [sflag:$0x4] =	stream.linear.gather [hbm4b:s21+s5], $0x2710, $0x38;
	[tilespmem:$0x1F040] =	vst v63  }
0x2a: {  	_ =	swait.ge [sflag:s30], $0x2710  }
0x2b: {  	[sflag:s30] =	ssyncset.done $0x0  }
0x2c: {  	[sflag:s30] =	ssyncadd.s32 $0xFFFFD8F0  }
0x2d: {  	s13 =	simm.s32 $0x15220;
	s17 =	rddreg [dreg:$0x1]  }
0x2e: {  	[tilespmem:s13], [sflag:$0x4] =	stream.linear.gather [hbm4b:s17+s5], $0x20, $0x38;
	[tilespmem:$0x1F040] =	vst v63  }
0x2f: {  	_ =	swait.ge [sflag:s30], $0x20  }
0x30: {  	[sflag:s30] =	ssyncset.done $0x0  }
0x31: {  	[sflag:s30] =	ssyncadd.s32 $0xFFFFFFE0  }
0x32: {  	[tilespmem:s0], [sflag:$0x2] =	stream.linear.gather [hbm4b:s18+s5], $0x2800, $0x38;
	[tilespmem:$0x1F040] =	vst v63  }
0x33: {  	_ = 	snop  }
0x34: {  	[tilespmem:s1], [sflag:$0x2] =	stream.linear.gather [hbm4b:s26+s5], $0x2800, $0x38;
	[tilespmem:$0x1F040] =	vst v63  }
0x35: {  	s6 =	simm.s32 $0x10220  }
0x36: {  	[tilespmem:s6], [sflag:$0x2] =	stream.linear.gather [hbm4b:s12+s5], $0x1400, $0x38;
	[tilespmem:$0x1F040] =	vst v63  }
0x37: {  	s13 =	simm.s32 $0x11620  }
0x38: {  	[tilespmem:s13], [sflag:$0x2] =	stream.linear.gather [hbm4b:s28+s5], $0x1400, $0x38;
	[tilespmem:$0x1F040] =	vst v63  }
0x39: {  	s15 =	rddreg [dreg:$0x6]  }
0x3a: {  	[tilespmem:s31], [sflag:$0x2] =	stream.linear.gather [hbm4b:s15+s5], $0x2800, $0x38;
	[tilespmem:$0x1F040] =	vst v63  }
0x3b: {  	_ =	swait.ge [sflag:s2], $0x2800  }
0x3c: {  	[sflag:s2] =	ssyncset.done $0x0  }
0x3d: {  	[sflag:s2] =	ssyncadd.s32 $0xFFFFD800  }
0x3e: {  	_ =	swait.ge [sflag:s2], $0x2800  }
0x3f: {  	[sflag:s2] =	ssyncset.done $0x0  }
0x40: {  	[sflag:s2] =	ssyncadd.s32 $0xFFFFD800  }
0x41: {  	_ =	swait.ge [sflag:s2], $0x1400  }
0x42: {  	[sflag:s2] =	ssyncset.done $0x0  }
0x43: {  	[sflag:s2] =	ssyncadd.s32 $0xFFFFEC00  }
0x44: {  	_ =	swait.ge [sflag:s2], $0x1400  }
0x45: {  	[sflag:s2] =	ssyncset.done $0x0  }
0x46: {  	[sflag:s2] =	ssyncadd.s32 $0xFFFFEC00  }
0x47: {  	_ =	swait.ge [sflag:s2], $0x2800  }
0x48: {  	[sflag:s2] =	ssyncset.done $0x0  }
0x49: {  	[sflag:s2] =	ssyncadd.s32 $0xFFFFD800  }
0x4a: {  	v0 =	vld [tilespmem:s13+$0x0]  }
0x4b: {  	v1 =	vld [tilespmem:s6+$0x0];
	_ =	sdelay $0x4  }
0x4c: {  	v0 =	vadd.f32 v0, v1;
	_ =	sdelay $0x1  }
0x4d: {  	v0 =	vmax.f32 v0, $1.000000000e+00  }
0x4e: {  	(erf) = vrcp.f32 v0;
	_ =	sdelay $0x8  }
0x4f: {  	v0 =	vpop (erf)  }
0x50: {  	s16 =	simm.s32 $0x0;
	s15 =	simm.s32 $0x80;
	[tilespmem:s6+$0x0] =	vst v0  }
.LBB2_2:
0x51: {  	p1 =	sne.s32 s15, $0x9F80;
	v1 =	vld [tilespmem:s16+$0xDA20];
	s13 =	sadd.s32 $0x10, s13;
	s6 =	sadd.s32 $0x10, s6  }
0x52: {  	s17 =	smov.u32 s15;
	s15 =	sadd.s32 $0x80, s15;
	v2 =	vld [tilespmem:s16+$0xB220];
	_ =	sdelay $0x3  }
0x53: {  	v3 =	vld [tilespmem:$0x15220]  }
0x54: {  	v1 =	vadd.f32 v1, v2  }
0x55: {  	v2 =	vld [tilespmem:s16+$0x12A20]  }
0x56: {  	v1 =	vmul.f32 v1, v0;
	_ =	sdelay $0x1  }
0x57: {  	v1 =	vadd.f32 v1, v3;
	v3 =	vld [tilespmem:s16+$0xDA30]  }
0x58: {  	v4 =	vld [tilespmem:s16+$0xB230]  }
0x59: {  	v1 =	vadd.f32 v1, v2;
	_ =	sdelay $0x1  }
0x5a: {  	v1 =	vmax.f32 v1, $0.0e+00  }
0x5b: {  	[tilespmem:s16+$0x12A20] =	vst v1  }
0x5c: {  	v1 =	vadd.f32 v3, v4;
	v2 =	vld [tilespmem:$0x15230]  }
0x5d: {  	v3 =	vld [tilespmem:s16+$0x12A30]  }
0x5e: {  	v0 =	vmul.f32 v1, v0;
	_ =	sdelay $0x2  }
0x5f: {  	v0 =	vadd.f32 v0, v2;
	_ =	sdelay $0x1  }
0x60: {  	v0 =	vadd.f32 v0, v3;
	_ =	sdelay $0x1  }
0x61: {  	v0 =	vmax.f32 v0, $0.0e+00  }
0x62: {  	[tilespmem:s16+$0x12A30] =	vst v0  }
0x63: {  	v0 =	vld [tilespmem:s13+$0x0]  }
0x64: {  	v1 =	vld [tilespmem:s6+$0x0];
	_ =	sdelay $0x4  }
0x65: {  	v0 =	vadd.f32 v0, v1;
	_ =	sdelay $0x1  }
0x66: {  	v0 =	vmax.f32 v0, $1.000000000e+00  }
0x67: {  	(erf) = vrcp.f32 v0;
	_ =	sdelay $0x5  }
.Ltmp0:
0x68: {  	(pc) =	sbr.rel @p1 .LBB2_2-.Ltmp0, $3  }
0x69: {  	_ =	sdelay $0x1  }
0x6a: {  	v0 =	vpop (erf)  }
0x6b: {  	s16 =	sshra.s32 s17, $0x2;
	[tilespmem:s6+$0x0] =	vst v0  }
0x6c: {  	v1 =	vld [tilespmem:s16+$0xDA20]  }
0x6d: {  	v2 =	vld [tilespmem:s16+$0xB220];
	_ =	sdelay $0x3  }
0x6e: {  	v3 =	vld [tilespmem:$0x15220]  }
0x6f: {  	v1 =	vadd.f32 v1, v2  }
0x70: {  	v2 =	vld [tilespmem:s16+$0x12A20]  }
0x71: {  	v1 =	vmul.f32 v1, v0;
	_ =	sdelay $0x1  }
0x72: {  	v1 =	vadd.f32 v1, v3  }
0x73: {  	v4 =	vld [tilespmem:s16+$0xB230]  }
0x74: {  	v3 =	vld [tilespmem:s16+$0xDA30];
	v1 =	vadd.f32 v1, v2;
	_ =	sdelay $0x1  }
0x75: {  	v1 =	vmax.f32 v1, $0.0e+00  }
0x76: {  	[tilespmem:s16+$0x12A20] =	vst v1  }
0x77: {  	v1 =	vld [tilespmem:$0x15230]  }
0x78: {  	v2 =	vadd.f32 v3, v4  }
0x79: {  	v3 =	vld [tilespmem:s16+$0x12A30]  }
0x7a: {  	v0 =	vmul.f32 v2, v0;
	_ =	sdelay $0x1  }
0x7b: {  	v0 =	vadd.f32 v0, v1;
	_ =	sdelay $0x1  }
0x7c: {  	v0 =	vadd.f32 v0, v3;
	_ =	sdelay $0x1  }
0x7d: {  	v0 =	vmax.f32 v0, $0.0e+00  }
0x7e: {  	[tilespmem:s16+$0x12A30] =	vst v0  }
0x7f: {  	[spmem:s22] =	stream.linear.scatter [tilespmem:s31], [sflag:$0x4], $0x2800, $0x38;
	[tilespmem:$0x1F040] =	vst v63  }
0x80: {  	_ =	swait.ge [sflag:s30], $0x2800  }
0x81: {  	s6 =	simm.s32 @!p0 $0x0;
	[sflag:s30] =	ssyncset.done $0x0  }
0x82: {  	s13 =	simm.s32 @!p0 $0x12A20;
	s15 =	rddreg [dreg:$0x7];
	[sflag:s30] =	ssyncadd.s32 $0xFFFFD800  }
0x83: {  	[hbm4b:s15+s6] =	stream.linear.scatter @!p0 [tilespmem:s13], [sflag:$0x4], $0x2800, $0x38;
	[tilespmem:$0x1F040] =	vst v63  }
0x84: {  	s13 =	simm.s32 @!p0 $0x4  }
0x85: {  	_ =	swait.ge @!p0 [sflag:s13], $0x2800  }
0x86: {  	[sflag:s13] =	ssyncset.done @!p0 $0x0  }
0x87: {  	s15 =	simm.s32 @!p0 $0x10220;
	s16 =	rddreg [dreg:$0xb];
	[sflag:s13] =	ssyncadd.s32 @!p0 $0xFFFFD800  }
0x88: {  	[hbm4b:s16+s6] =	stream.linear.scatter @!p0 [tilespmem:s15], [sflag:$0x4], $0x1400, $0x38;
	[tilespmem:$0x1F040] =	vst v63  }
0x89: {  	_ =	swait.ge @!p0 [sflag:s13], $0x1400  }
0x8a: {  	[sflag:s13] =	ssyncset.done @!p0 $0x0  }
0x8b: {  	s15 =	simm.s32 $0x0;
	s16 =	rddreg [dreg:$0x8];
	[sflag:s13] =	ssyncadd.s32 @!p0 $0xFFFFEC00  }
0x8c: {  	[tilespmem:s0], [sflag:$0x2] =	stream.linear.gather [hbm4b:s16+s15], $0x2700, $0x38;
	[tilespmem:$0x1F040] =	vst v63  }
0x8d: {  	_ = 	snop  }
0x8e: {  	[tilespmem:s1], [sflag:$0x2] =	stream.linear.gather [hbm4b:s23+s15], $0x2700, $0x38;
	[tilespmem:$0x1F040] =	vst v63  }
0x8f: {  	s6 =	simm.s32 $0x10220  }
0x90: {  	[tilespmem:s6], [sflag:$0x2] =	stream.linear.gather [hbm4b:s14+s15], $0x1380, $0x38;
	[tilespmem:$0x1F040] =	vst v63  }
0x91: {  	s13 =	simm.s32 $0x11620  }
0x92: {  	[tilespmem:s13], [sflag:$0x2] =	stream.linear.gather [hbm4b:s29+s15], $0x1380, $0x38;
	[tilespmem:$0x1F040] =	vst v63  }
0x93: {  	s17 =	rddreg [dreg:$0x9]  }
0x94: {  	[tilespmem:s31], [sflag:$0x2] =	stream.linear.gather [hbm4b:s17+s15], $0x2700, $0x38;
	[tilespmem:$0x1F040] =	vst v63  }
0x95: {  	_ =	swait.ge [sflag:s2], $0x2700  }
0x96: {  	[sflag:s2] =	ssyncset.done $0x0  }
0x97: {  	[sflag:s2] =	ssyncadd.s32 $0xFFFFD900  }
0x98: {  	_ =	swait.ge [sflag:s2], $0x2700  }
0x99: {  	[sflag:s2] =	ssyncset.done $0x0  }
0x9a: {  	[sflag:s2] =	ssyncadd.s32 $0xFFFFD900  }
0x9b: {  	_ =	swait.ge [sflag:s2], $0x1380  }
0x9c: {  	[sflag:s2] =	ssyncset.done $0x0  }
0x9d: {  	[sflag:s2] =	ssyncadd.s32 $0xFFFFEC80  }
0x9e: {  	_ =	swait.ge [sflag:s2], $0x1380  }
0x9f: {  	[sflag:s2] =	ssyncset.done $0x0  }
0xa0: {  	[sflag:s2] =	ssyncadd.s32 $0xFFFFEC80  }
0xa1: {  	_ =	swait.ge [sflag:s2], $0x2700  }
0xa2: {  	[sflag:s2] =	ssyncset.done $0x0  }
0xa3: {  	[sflag:s2] =	ssyncadd.s32 $0xFFFFD900  }
0xa4: {  	v0 =	vld [tilespmem:s13+$0x0]  }
0xa5: {  	v1 =	vld [tilespmem:s6+$0x0];
	_ =	sdelay $0x4  }
0xa6: {  	v0 =	vadd.f32 v0, v1;
	_ =	sdelay $0x1  }
0xa7: {  	v0 =	vmax.f32 v0, $1.000000000e+00  }
0xa8: {  	(erf) = vrcp.f32 v0;
	_ =	sdelay $0x8  }
0xa9: {  	v0 =	vpop (erf)  }
0xaa: {  	s16 =	simm.s32 $0x0;
	s15 =	simm.s32 $0x80;
	[tilespmem:s6+$0x0] =	vst v0  }
.LBB2_4:
0xab: {  	p1 =	sne.s32 s15, $0x9B80;
	v1 =	vld [tilespmem:s16+$0xDA20];
	s13 =	sadd.s32 $0x10, s13;
	s6 =	sadd.s32 $0x10, s6  }
0xac: {  	s17 =	smov.u32 s15;
	s15 =	sadd.s32 $0x80, s15;
	v2 =	vld [tilespmem:s16+$0xB220];
	_ =	sdelay $0x3  }
0xad: {  	v3 =	vld [tilespmem:$0x15220]  }
0xae: {  	v1 =	vadd.f32 v1, v2  }
0xaf: {  	v2 =	vld [tilespmem:s16+$0x12A20]  }
0xb0: {  	v1 =	vmul.f32 v1, v0;
	_ =	sdelay $0x1  }
0xb1: {  	v1 =	vadd.f32 v1, v3;
	v3 =	vld [tilespmem:s16+$0xDA30]  }
0xb2: {  	v4 =	vld [tilespmem:s16+$0xB230]  }
0xb3: {  	v1 =	vadd.f32 v1, v2;
	_ =	sdelay $0x1  }
0xb4: {  	v1 =	vmax.f32 v1, $0.0e+00  }
0xb5: {  	[tilespmem:s16+$0x12A20] =	vst v1  }
0xb6: {  	v1 =	vadd.f32 v3, v4;
	v2 =	vld [tilespmem:$0x15230]  }
0xb7: {  	v3 =	vld [tilespmem:s16+$0x12A30]  }
0xb8: {  	v0 =	vmul.f32 v1, v0;
	_ =	sdelay $0x2  }
0xb9: {  	v0 =	vadd.f32 v0, v2;
	_ =	sdelay $0x1  }
0xba: {  	v0 =	vadd.f32 v0, v3;
	_ =	sdelay $0x1  }
0xbb: {  	v0 =	vmax.f32 v0, $0.0e+00  }
0xbc: {  	[tilespmem:s16+$0x12A30] =	vst v0  }
0xbd: {  	v0 =	vld [tilespmem:s13+$0x0]  }
0xbe: {  	v1 =	vld [tilespmem:s6+$0x0];
	_ =	sdelay $0x4  }
0xbf: {  	v0 =	vadd.f32 v0, v1;
	_ =	sdelay $0x1  }
0xc0: {  	v0 =	vmax.f32 v0, $1.000000000e+00  }
0xc1: {  	(erf) = vrcp.f32 v0;
	_ =	sdelay $0x5  }
.Ltmp1:
0xc2: {  	(pc) =	sbr.rel @p1 .LBB2_4-.Ltmp1, $3  }
0xc3: {  	_ =	sdelay $0x1  }
0xc4: {  	v0 =	vpop (erf)  }
0xc5: {  	s16 =	sshra.s32 s17, $0x2;
	[tilespmem:s6+$0x0] =	vst v0  }
0xc6: {  	v1 =	vld [tilespmem:s16+$0xDA20]  }
0xc7: {  	v2 =	vld [tilespmem:s16+$0xB220];
	_ =	sdelay $0x3  }
0xc8: {  	v3 =	vld [tilespmem:$0x15220]  }
0xc9: {  	v1 =	vadd.f32 v1, v2  }
0xca: {  	v59 =	vld [tilespmem:s16+$0x12A20]  }
0xcb: {  	v1 =	vmul.f32 v1, v0;
	_ =	sdelay $0x1  }
0xcc: {  	v1 =	vadd.f32 v1, v3  }
0xcd: {  	v60 =	vld [tilespmem:s16+$0xDA30]  }
0xce: {  	v4 =	vld [tilespmem:s16+$0xB230];
	v1 =	vadd.f32 v1, v59;
	_ =	sdelay $0x1  }
0xcf: {  	v1 =	vmax.f32 v1, $0.0e+00  }
0xd0: {  	[tilespmem:s16+$0x12A20] =	vst v1  }
0xd1: {  	v1 =	vld [tilespmem:$0x15230]  }
0xd2: {  	v61 =	vadd.f32 v60, v4  }
0xd3: {  	v62 =	vld [tilespmem:s16+$0x12A30]  }
0xd4: {  	v63 =	vmul.f32 v61, v0;
	_ =	sdelay $0x1  }
0xd5: {  	v0 =	vadd.f32 v63, v1;
	_ =	sdelay $0x1  }
0xd6: {  	v0 =	vadd.f32 v0, v62;
	_ =	sdelay $0x1  }
0xd7: {  	v0 =	vmax.f32 v0, $0.0e+00  }
0xd8: {  	[tilespmem:s16+$0x12A30] =	vst v0  }
0xd9: {  	[spmem:s24] =	stream.linear.scatter [tilespmem:s31], [sflag:$0x4], $0x2700, $0x38;
	[tilespmem:$0x1F040] =	vst v63  }
0xda: {  	_ =	swait.ge [sflag:s30], $0x2700  }
0xdb: {  	s6 =	simm.s32 @!p0 $0x0;
	[sflag:s30] =	ssyncset.done $0x0  }
0xdc: {  	s13 =	simm.s32 @!p0 $0x12A20;
	s15 =	rddreg [dreg:$0xa];
	[sflag:s30] =	ssyncadd.s32 $0xFFFFD900  }
0xdd: {  	[hbm4b:s15+s6] =	stream.linear.scatter @!p0 [tilespmem:s13], [sflag:$0x4], $0x2700, $0x38;
	[tilespmem:$0x1F040] =	vst v63  }
0xde: {  	s13 =	simm.s32 @!p0 $0x4  }
0xdf: {  	_ =	swait.ge @!p0 [sflag:s13], $0x2700  }
0xe0: {  	[sflag:s13] =	ssyncset.done @!p0 $0x0  }
0xe1: {  	s15 =	simm.s32 @!p0 $0x10220;
	s16 =	rddreg [dreg:$0xc];
	[sflag:s13] =	ssyncadd.s32 @!p0 $0xFFFFD900  }
0xe2: {  	[hbm4b:s16+s6] =	stream.linear.scatter @!p0 [tilespmem:s15], [sflag:$0x4], $0x1380, $0x38;
	[tilespmem:$0x1F040] =	vst v63  }
0xe3: {  	_ =	swait.ge @!p0 [sflag:s13], $0x1380  }
0xe4: {  	[sflag:s13] =	ssyncset.done @!p0 $0x0  }
0xe5: {  	[sflag:s13] =	ssyncadd.s32 @!p0 $0xFFFFEC80  }
0xe6: {  	s17 =	simm.s32 $0x4E20;
	s6 =	simm.s32 $0x0;
	[bflag:$0x0] =	sbarrier.arrive $0xFFFF  }
0xe7: {  	[tilespmem:s17], [sflag:$0x1] =	stream.indirect.gather [spmem:s4], $0x20, s6, s7, $0xb8;
	[tilespmem:$0x1F040] =	vst v63  }
0xe8: {  	s15 =	simm.s32 $0x5820  }
0xe9: {  	[tilespmem:s15], [sflag:$0x1] =	stream.indirect.gather [spmem:s4], $0x20, s7, s7, $0xb8;
	[tilespmem:$0x1F040] =	vst v63  }
0xea: {  	s16 =	simm.s32 $0xA0;
	s17 =	simm.s32 $0x6220  }
0xeb: {  	[tilespmem:s17], [sflag:$0x1] =	stream.indirect.gather [spmem:s4], $0x20, s16, s7, $0xb8;
	[tilespmem:$0x1F040] =	vst v63  }
0xec: {  	s13 =	simm.s32 $0x190;
	s16 =	simm.s32 $0xF0;
	s17 =	simm.s32 $0x6C20  }
0xed: {  	[tilespmem:s17], [sflag:$0x1] =	stream.indirect.gather [spmem:s4], $0x20, s16, s7, $0xb8;
	[tilespmem:$0x1F040] =	vst v63  }
0xee: {  	s15 =	simm.s32 $0x2710;
	s16 =	simm.s32 $0x140;
	s17 =	simm.s32 $0x7620  }
0xef: {  	[tilespmem:s17], [sflag:$0x1] =	stream.indirect.gather [spmem:s4], $0x20, s16, s7, $0xb8;
	[tilespmem:$0x1F040] =	vst v63  }
.LBB2_6:
0xf0: {  	p1 =	sgt.u32 s6, $0x77  }
0xf1: {  	s16 =	sadd.s32 @!p1 $0x5, s6  }
0xf2: {  	s17 =	smul.u32 @!p1 $0xCD, s16;
	_ =	sdelay $0x1  }
0xf3: {  	s17 =	sshrl.u32 @!p1 s17, $0xB  }
0xf4: {  	s17 =	sand.u32 @!p1 $0x1F, s17  }
0xf5: {  	s17 =	smul.u32 @!p1 $0xA, s17;
	_ =	sdelay $0x1  }
0xf6: {  	s16 =	ssub.s32 @!p1 s16, s17  }
0xf7: {  	s16 =	sand.u32 @!p1 $0xFF, s16  }
0xf8: {  	s16 =	smul.u32 @!p1 $0x2800, s16;
	_ =	sdelay $0x1  }
0xf9: {  	s16 =	sshrl.u32 @!p1 s16, $0x2  }
0xfa: {  	s17 =	simm.s32 @!p1 $0x50;
	s16 =	sadd.s32 @!p1 $0x4E20, s16  }
0xfb: {  	[tilespmem:s16], [sflag:$0x1] =	stream.indirect.gather @!p1 [spmem:s4], $0x20, s13, s17, $0xb8;
	[tilespmem:$0x1F040] =	vst v63  }
0xfc: {  	s17 =	smul.u32 $0xCD, s6;
	_ =	sdelay $0x1  }
0xfd: {  	s16 =	sshrl.u32 s17, $0xB  }
0xfe: {  	s16 =	sand.u32 $0x1F, s16  }
0xff: {  	p2 =	slt.u32 @!p1 s6, $0x4;
	s16 =	smul.u32 $0xA, s16  }
0x100: {  	p1 =	por p1, !p2  }
0x101: {  	_ =	swait.ge @p1 [sflag:s8], $0xA00;
	s16 =	ssub.s32 s6, s16  }
0x102: {  	[sflag:s8] =	ssyncset.done @p1 $0x0;
	s6 =	sadd.s32 $0x1, s6;
	s16 =	sand.u32 $0xFF, s16  }
0x103: {  	[sflag:s8] =	ssyncadd.s32 @p1 $0xFFFFF600;
	p1 =	sne.s32 s6, $0x7D;
	s16 =	smul.u32 $0x2800, s16  }
.Ltmp2:
0x104: {  	_ =	swait.ge [sflag:s9], $0xA00;
	(pc) =	sbr.rel @p1 .LBB2_6-.Ltmp2, $4  }
0x105: {  	[sflag:s9] =	ssyncset.done $0x0;
	s16 =	sshrl.u32 s16, $0x2  }
0x106: {  	[sflag:s9] =	ssyncadd.s32 $0xFFFFF600;
	s16 =	sadd.s32 $0x4E20, s16  }
0x107: {  	[spmem:s3] =	stream.indirect.scatter.add.f32 [tilespmem:s16], [sflag:$0x3], $0x20, s15, s7, $0xb8;
	[tilespmem:$0x1F040] =	vst v63  }
0x108: {  	s13 =	sadd.s32 $0x50, s13;
	s15 =	sadd.s32 $0x50, s15  }
0x109: {  	_ =	swait.ge [sflag:s8], $0xA00  }
0x10a: {  	[sflag:s8] =	ssyncset.done $0x0  }
0x10b: {  	[sflag:s8] =	ssyncadd.s32 $0xFFFFF600  }
0x10c: {  	_ =	swait.ge [sflag:s8], $0xA00  }
0x10d: {  	[sflag:s8] =	ssyncset.done $0x0  }
0x10e: {  	[sflag:s8] =	ssyncadd.s32 $0xFFFFF600  }
0x10f: {  	_ =	swait.ge [sflag:s8], $0xA00  }
0x110: {  	[sflag:s8] =	ssyncset.done $0x0  }
0x111: {  	[sflag:s8] =	ssyncadd.s32 $0xFFFFF600  }
0x112: {  	_ =	swait.ge [sflag:s8], $0xA00  }
0x113: {  	[sflag:s8] =	ssyncset.done $0x0  }
0x114: {  	s10 =	sadd.s32 $0x1, s10;
	[sflag:s8] =	ssyncadd.s32 $0xFFFFF600  }
0x115: {  	p1 =	sne.s32 s10, s25;
	[bflag:$0x0] =	sbarrier.arrive $0xFFFF  }
.Ltmp3:
0x116: {  	s6 =	rddreg [dreg:$0xf];
	(pc) =	sbr.rel @p1 .LBB2_1-.Ltmp3, $4  }
0x117: {  	[hbm:s6], [sflag:s19] =	dma.local [spmem:s11], $0x9E0  }
0x118: {  	_ =	swait.ge [sflag:s30], $0x9E0  }
0x119: {  	[sflag:s30] =	ssyncset.done $0x0  }
0x11a: {  	[sflag:s30] =	ssyncadd.s32 $0xFFFFF620  }
0x11b: {  	_ =	sfence.sel $0x180000  }
0x11c: {  	[bflag:$0x0] =	sbarrier.arrive $0xFFFF  }
0x11d: {  	_ =	strace $0x9000004A  }
0x11e: {  	s0 =	stileid.u32;
	[bflag:$0x2] =	sbarrier.arrive $0xFFFF  }
0x11f: {  	p0 =	sne.s32 s0, $0x0;
	s0 =	rddreg [dreg:$0x5]  }
0x120: {  	s0 =	sadd.s32 @!p0 $0x100000, s0  }
0x121: {  	[sflag:s0] =	ssyncadd.tile.s32 @!p0 $0x1;
	_ =	shalt  }
.Lfunc_end2:
_tile_overlayer_lowered:
.L_overlay_start_2:
0x122: {  	(tag) =	ssettag $0x2  }
0x123: {  	s0 =	rddreg [dreg:$0x0];
	s2 =	stileid.u32  }
0x124: {  	s1 =	rddreg [dreg:$0x1];
	p0 =	sne.s32 s2, $0x0  }
0x125: {  	s3 =	rddreg [dreg:$0x2];
	[bflag:$0x3] =	sbarrier.arrive $0xFFFF;
	s2 =	simm.s32 @!p0 $0x1C04  }
0x126: {  	[timem:s3], [sflag:s2] =	dma.local @!p0 [hbm:s0], s1  }
0x127: {  	s0 =	simm.s32 @!p0 $0x4  }
0x128: {  	_ =	swait.ge @!p0 [sflag:s0], s1  }
0x129: {  	s1 =	ssub.s32 @!p0 $0x0, s1;
	[sflag:s0] =	ssyncset.done @!p0 $0x0  }
0x12a: {  	[sflag:s0] =	ssyncadd.s32 @!p0 s1  }
0x12b: {  	[bflag:$0x3] =	sbarrier.arrive $0xFFFF  }
0x12c: {  	_ =	shalt  }

</sc_bundles>
